<compile_context>
chip_gen: v7x
topology: tpu7x:2x2x1
jax: 0.10.2.dev20260603
libtpu: 0.0.44.dev20260713+nightly
codegen_flags: <defaults>
</compile_context>

<pallas_src>
import functools

import jax
import jax.numpy as jnp
from jax import lax
from jax.experimental import pallas as pl
from jax.experimental.pallas import tpu as pltpu
from jax.experimental.pallas import tpu_sc as plsc

_LANES = 16


def kernel(input, token_table, pos_table):
    B, S = input.shape
    V, D = token_table.shape
    N = B * S

    info = plsc.get_sparse_core_info()
    NW = info.num_cores * info.num_subcores
    PPW = S // NW
    CD = D // _LANES

    idx32 = input.astype(jnp.int32)

    GROUPS = [(0, 8), (8, 24), (32, 32)]
    assert sum(n for _, n in GROUPS) == PPW
    H = len(GROUPS)

    mesh = plsc.VectorSubcoreMesh(core_axis_name="c", subcore_axis_name="s")

    @functools.partial(
        pl.kernel,
        out_type=jax.ShapeDtypeStruct((N, D), jnp.float32),
        mesh=mesh,
        scratch_types=[
            pltpu.VMEM((B, PPW), jnp.int32),
            pltpu.VMEM((B * PPW, D), jnp.float32),
            pltpu.VMEM((PPW, D), jnp.float32),
            [pltpu.SemaphoreType.DMA] * H,
            [pltpu.SemaphoreType.DMA] * B,
            [pltpu.SemaphoreType.DMA] * 2,
            pltpu.SemaphoreType.DMA,
        ],
    )
    def sc_embed(idx_hbm, tok_hbm, pos_hbm, out_hbm, idx_v, tok_v, pos_v,
                 gsems, isems, psems, ssem):
        wid = lax.axis_index("s") * info.num_cores + lax.axis_index("c")
        p0 = wid * PPW
        g0 = GROUPS[0][1]

        idx_copies = [
            pltpu.async_copy(idx_hbm.at[b, pl.ds(p0, PPW)], idx_v.at[b],
                             isems[b])
            for b in range(B)
        ]
        pos_copies = [
            pltpu.async_copy(pos_hbm.at[pl.ds(p0, g0)],
                             pos_v.at[pl.ds(0, g0)], psems[0]),
            pltpu.async_copy(pos_hbm.at[pl.ds(p0 + g0, PPW - g0)],
                             pos_v.at[pl.ds(g0, PPW - g0)], psems[1]),
        ]
        gathers = [[None] * B for _ in range(H)]
        for b in range(B):
            idx_copies[b].wait()
            for h, (off, n) in enumerate(GROUPS):
                gathers[h][b] = pltpu.async_copy(
                    tok_hbm.at[idx_v.at[b, pl.ds(off, n)]],
                    tok_v.at[pl.ds(b * PPW + off, n)],
                    gsems[h],
                )

        stores = []
        for h, (off, n) in enumerate(GROUPS):
            if h < 2:
                pos_copies[h].wait()
            for g in gathers[h]:
                g.wait()

            def row_body(r, carry, _off=off):
                for c in range(CD):
                    sl = pl.ds(c * _LANES, _LANES)
                    pvec = pos_v[_off + r, sl]
                    for b in range(B):
                        plsc.addupdate(tok_v.at[b * PPW + _off + r, sl],
                                       pvec)
                return carry

            lax.fori_loop(0, n, row_body, 0)

            for b in range(B):
                stores.append(pltpu.async_copy(
                    tok_v.at[pl.ds(b * PPW + off, n)],
                    out_hbm.at[pl.ds(b * S + p0 + off, n)],
                    ssem,
                ))

        for st in stores:
            st.wait()

    out = sc_embed(idx32, token_table, pos_table)
    return out.reshape(B, S, D)

# --- scband reference (transcript-rebuilt; emitter-appended) ---
"""Pipeline reference for scband-token-and-positional-embedding-67757404062142 (READ-ONLY COPY).

The authoritative reference and input builder live on the scoring server;
editing this copy changes nothing except your own understanding.
"""

import jax, jax.numpy as jnp
import numpy as np

VOCAB = 100000
SEQ_LEN = 2048
EMBED_DIM = 128
BATCH = 4

def setup_inputs(seed: int = 0) -> dict:
    key = jax.random.key(seed)
    k1, k2, k3 = jax.random.split(key, 3)
    inp = jax.random.randint(k1, (BATCH, SEQ_LEN), 0, VOCAB, dtype=jnp.int64 if jax.config.jax_enable_x64 else jnp.int32)
    token_table = jax.random.normal(k2, (VOCAB, EMBED_DIM), dtype=jnp.float32) * 0.02
    pos_table = jax.random.normal(k3, (SEQ_LEN, EMBED_DIM), dtype=jnp.float32) * 0.02
    return {"input": inp, "token_table": token_table, "pos_table": pos_table}

def reference(input, token_table, pos_table):
    L = input.shape[-1]
    positions = jnp.arange(0, L, 1)
    pos_emb = jnp.take(pos_table, positions, axis=0)
    tok_emb = jnp.take(token_table, input, axis=0)
    return tok_emb + pos_emb

if __name__ == "__main__":
    import jax
    _d = setup_inputs()
    print(jax.jit(kernel)(*tuple(_d.values())))

</pallas_src>

<mosaic_0001>
#map = affine_map<(d0, d1) -> (0, 0)>
module attributes {stable_mosaic.version = 14 : i64} {
  func.func @sc_embed(%arg0: i32, %arg1: i32, %arg2: memref<4x2048xi32, #tpu.memory_space<hbm>>, %arg3: memref<100000x128xf32, #tpu.memory_space<hbm>>, %arg4: memref<2048x128xf32, #tpu.memory_space<hbm>>, %arg5: memref<8192x128xf32, #tpu.memory_space<hbm>>, %arg6: memref<4x64xi32, #tpu.memory_space<vmem>>, %arg7: memref<256x128xf32, #tpu.memory_space<vmem>>, %arg8: memref<64x128xf32, #tpu.memory_space<vmem>>, %arg9: memref<!tpu.dma_semaphore, #tpu.memory_space<semaphore_mem>>, %arg10: memref<!tpu.dma_semaphore, #tpu.memory_space<semaphore_mem>>, %arg11: memref<!tpu.dma_semaphore, #tpu.memory_space<semaphore_mem>>, %arg12: memref<!tpu.dma_semaphore, #tpu.memory_space<semaphore_mem>>, %arg13: memref<!tpu.dma_semaphore, #tpu.memory_space<semaphore_mem>>, %arg14: memref<!tpu.dma_semaphore, #tpu.memory_space<semaphore_mem>>, %arg15: memref<!tpu.dma_semaphore, #tpu.memory_space<semaphore_mem>>, %arg16: memref<!tpu.dma_semaphore, #tpu.memory_space<semaphore_mem>>, %arg17: memref<!tpu.dma_semaphore, #tpu.memory_space<semaphore_mem>>, %arg18: memref<!tpu.dma_semaphore, #tpu.memory_space<semaphore_mem>>) attributes {dimension_semantics = [#tpu.dimension_semantics<core_parallel>, #tpu.dimension_semantics<subcore_parallel>], iteration_bounds = array<i64: 2, 16>, scalar_prefetch = 0 : i64, scratch_operands = 13 : i64, tpu.core_type = #tpu.core_type<sc_vector_subcore>, window_params = [{transform_indices = #map}, {transform_indices = #map}, {transform_indices = #map}, {transform_indices = #map}]} {
    %mul3A = arith.constant 2 : i32
    %mul3A_0 = arith.muli %arg1, %mul3A : i32
    %add3A = arith.addi %mul3A_0, %arg0 : i32
    %mul3A_1 = arith.constant 64 : i32
    %mul3A_2 = arith.muli %add3A, %mul3A_1 : i32
    %dma_start3A = arith.constant 0 : i32
    %dma_start3A_3 = arith.constant 0 : i32
    %dma_start3A_4 = arith.constant 0 : i32
    %dma_start3A_5 = tpu.memref_slice %arg6[%dma_start3A_3, %dma_start3A_4] : memref<4x64xi32, #tpu.memory_space<vmem>> -> memref<1x64xi32, #tpu.memory_space<vmem>>
    %dma_start3A_6 = tpu.memref_squeeze %dma_start3A_5 : memref<1x64xi32, #tpu.memory_space<vmem>> -> memref<64xi32, #tpu.memory_space<vmem>>
    %dma_start3A_7 = tpu.memref_slice %arg2[%dma_start3A, %mul3A_2] : memref<4x2048xi32, #tpu.memory_space<hbm>> -> memref<1x64xi32, #tpu.memory_space<hbm>>
    %dma_start3A_8 = tpu.memref_squeeze %dma_start3A_7 : memref<1x64xi32, #tpu.memory_space<hbm>> -> memref<64xi32, #tpu.memory_space<hbm>>
    %dma_start3A_9 = arith.constant 0 : i32
    %dma_start3A_10 = tpu.memref_slice %arg6[%dma_start3A_3, %dma_start3A_9] : memref<4x64xi32, #tpu.memory_space<vmem>> -> memref<1x64xi32, #tpu.memory_space<vmem>>
    %dma_start3A_11 = tpu.memref_squeeze %dma_start3A_10 : memref<1x64xi32, #tpu.memory_space<vmem>> -> memref<64xi32, #tpu.memory_space<vmem>>
    %dma_start3A_12 = tpu.memref_slice %arg2[%dma_start3A, %mul3A_2] : memref<4x2048xi32, #tpu.memory_space<hbm>> -> memref<1x64xi32, #tpu.memory_space<hbm>>
    %dma_start3A_13 = tpu.memref_squeeze %dma_start3A_12 : memref<1x64xi32, #tpu.memory_space<hbm>> -> memref<64xi32, #tpu.memory_space<hbm>>
    tpu.enqueue_dma source(%dma_start3A_13 : memref<64xi32, #tpu.memory_space<hbm>>) target(%dma_start3A_11 : memref<64xi32, #tpu.memory_space<vmem>>) target_semaphore(%arg12 : memref<!tpu.dma_semaphore, #tpu.memory_space<semaphore_mem>>)
    %dma_start3A_14 = arith.constant 1 : i32
    %dma_start3A_15 = arith.constant 1 : i32
    %dma_start3A_16 = arith.constant 0 : i32
    %dma_start3A_17 = tpu.memref_slice %arg6[%dma_start3A_15, %dma_start3A_16] : memref<4x64xi32, #tpu.memory_space<vmem>> -> memref<1x64xi32, #tpu.memory_space<vmem>>
    %dma_start3A_18 = tpu.memref_squeeze %dma_start3A_17 : memref<1x64xi32, #tpu.memory_space<vmem>> -> memref<64xi32, #tpu.memory_space<vmem>>
    %dma_start3A_19 = tpu.memref_slice %arg2[%dma_start3A_14, %mul3A_2] : memref<4x2048xi32, #tpu.memory_space<hbm>> -> memref<1x64xi32, #tpu.memory_space<hbm>>
    %dma_start3A_20 = tpu.memref_squeeze %dma_start3A_19 : memref<1x64xi32, #tpu.memory_space<hbm>> -> memref<64xi32, #tpu.memory_space<hbm>>
    %dma_start3A_21 = arith.constant 0 : i32
    %dma_start3A_22 = tpu.memref_slice %arg6[%dma_start3A_15, %dma_start3A_21] : memref<4x64xi32, #tpu.memory_space<vmem>> -> memref<1x64xi32, #tpu.memory_space<vmem>>
    %dma_start3A_23 = tpu.memref_squeeze %dma_start3A_22 : memref<1x64xi32, #tpu.memory_space<vmem>> -> memref<64xi32, #tpu.memory_space<vmem>>
    %dma_start3A_24 = tpu.memref_slice %arg2[%dma_start3A_14, %mul3A_2] : memref<4x2048xi32, #tpu.memory_space<hbm>> -> memref<1x64xi32, #tpu.memory_space<hbm>>
    %dma_start3A_25 = tpu.memref_squeeze %dma_start3A_24 : memref<1x64xi32, #tpu.memory_space<hbm>> -> memref<64xi32, #tpu.memory_space<hbm>>
    tpu.enqueue_dma source(%dma_start3A_25 : memref<64xi32, #tpu.memory_space<hbm>>) target(%dma_start3A_23 : memref<64xi32, #tpu.memory_space<vmem>>) target_semaphore(%arg13 : memref<!tpu.dma_semaphore, #tpu.memory_space<semaphore_mem>>)
    %dma_start3A_26 = arith.constant 2 : i32
    %dma_start3A_27 = arith.constant 2 : i32
    %dma_start3A_28 = arith.constant 0 : i32
    %dma_start3A_29 = tpu.memref_slice %arg6[%dma_start3A_27, %dma_start3A_28] : memref<4x64xi32, #tpu.memory_space<vmem>> -> memref<1x64xi32, #tpu.memory_space<vmem>>
    %dma_start3A_30 = tpu.memref_squeeze %dma_start3A_29 : memref<1x64xi32, #tpu.memory_space<vmem>> -> memref<64xi32, #tpu.memory_space<vmem>>
    %dma_start3A_31 = tpu.memref_slice %arg2[%dma_start3A_26, %mul3A_2] : memref<4x2048xi32, #tpu.memory_space<hbm>> -> memref<1x64xi32, #tpu.memory_space<hbm>>
    %dma_start3A_32 = tpu.memref_squeeze %dma_start3A_31 : memref<1x64xi32, #tpu.memory_space<hbm>> -> memref<64xi32, #tpu.memory_space<hbm>>
    %dma_start3A_33 = arith.constant 0 : i32
    %dma_start3A_34 = tpu.memref_slice %arg6[%dma_start3A_27, %dma_start3A_33] : memref<4x64xi32, #tpu.memory_space<vmem>> -> memref<1x64xi32, #tpu.memory_space<vmem>>
    %dma_start3A_35 = tpu.memref_squeeze %dma_start3A_34 : memref<1x64xi32, #tpu.memory_space<vmem>> -> memref<64xi32, #tpu.memory_space<vmem>>
    %dma_start3A_36 = tpu.memref_slice %arg2[%dma_start3A_26, %mul3A_2] : memref<4x2048xi32, #tpu.memory_space<hbm>> -> memref<1x64xi32, #tpu.memory_space<hbm>>
    %dma_start3A_37 = tpu.memref_squeeze %dma_start3A_36 : memref<1x64xi32, #tpu.memory_space<hbm>> -> memref<64xi32, #tpu.memory_space<hbm>>
    tpu.enqueue_dma source(%dma_start3A_37 : memref<64xi32, #tpu.memory_space<hbm>>) target(%dma_start3A_35 : memref<64xi32, #tpu.memory_space<vmem>>) target_semaphore(%arg14 : memref<!tpu.dma_semaphore, #tpu.memory_space<semaphore_mem>>)
    %dma_start3A_38 = arith.constant 3 : i32
    %dma_start3A_39 = arith.constant 3 : i32
    %dma_start3A_40 = arith.constant 0 : i32
    %dma_start3A_41 = tpu.memref_slice %arg6[%dma_start3A_39, %dma_start3A_40] : memref<4x64xi32, #tpu.memory_space<vmem>> -> memref<1x64xi32, #tpu.memory_space<vmem>>
    %dma_start3A_42 = tpu.memref_squeeze %dma_start3A_41 : memref<1x64xi32, #tpu.memory_space<vmem>> -> memref<64xi32, #tpu.memory_space<vmem>>
    %dma_start3A_43 = tpu.memref_slice %arg2[%dma_start3A_38, %mul3A_2] : memref<4x2048xi32, #tpu.memory_space<hbm>> -> memref<1x64xi32, #tpu.memory_space<hbm>>
    %dma_start3A_44 = tpu.memref_squeeze %dma_start3A_43 : memref<1x64xi32, #tpu.memory_space<hbm>> -> memref<64xi32, #tpu.memory_space<hbm>>
    %dma_start3A_45 = arith.constant 0 : i32
    %dma_start3A_46 = tpu.memref_slice %arg6[%dma_start3A_39, %dma_start3A_45] : memref<4x64xi32, #tpu.memory_space<vmem>> -> memref<1x64xi32, #tpu.memory_space<vmem>>
    %dma_start3A_47 = tpu.memref_squeeze %dma_start3A_46 : memref<1x64xi32, #tpu.memory_space<vmem>> -> memref<64xi32, #tpu.memory_space<vmem>>
    %dma_start3A_48 = tpu.memref_slice %arg2[%dma_start3A_38, %mul3A_2] : memref<4x2048xi32, #tpu.memory_space<hbm>> -> memref<1x64xi32, #tpu.memory_space<hbm>>
    %dma_start3A_49 = tpu.memref_squeeze %dma_start3A_48 : memref<1x64xi32, #tpu.memory_space<hbm>> -> memref<64xi32, #tpu.memory_space<hbm>>
    tpu.enqueue_dma source(%dma_start3A_49 : memref<64xi32, #tpu.memory_space<hbm>>) target(%dma_start3A_47 : memref<64xi32, #tpu.memory_space<vmem>>) target_semaphore(%arg15 : memref<!tpu.dma_semaphore, #tpu.memory_space<semaphore_mem>>)
    %dma_start3A_50 = arith.constant 0 : i32
    %dma_start3A_51 = arith.constant 0 : i32
    %dma_start3A_52 = tpu.memref_slice %arg8[%dma_start3A_50, %dma_start3A_51] : memref<64x128xf32, #tpu.memory_space<vmem>> -> memref<8x128xf32, #tpu.memory_space<vmem>>
    %dma_start3A_53 = arith.constant 0 : i32
    %dma_start3A_54 = tpu.memref_slice %arg4[%mul3A_2, %dma_start3A_53] : memref<2048x128xf32, #tpu.memory_space<hbm>> -> memref<8x128xf32, #tpu.memory_space<hbm>>
    %dma_start3A_55 = arith.constant 0 : i32
    %dma_start3A_56 = arith.constant 0 : i32
    %dma_start3A_57 = tpu.memref_slice %arg8[%dma_start3A_55, %dma_start3A_56] : memref<64x128xf32, #tpu.memory_space<vmem>> -> memref<8x128xf32, #tpu.memory_space<vmem>>
    %dma_start3A_58 = arith.constant 0 : i32
    %dma_start3A_59 = tpu.memref_slice %arg4[%mul3A_2, %dma_start3A_58] : memref<2048x128xf32, #tpu.memory_space<hbm>> -> memref<8x128xf32, #tpu.memory_space<hbm>>
    tpu.enqueue_dma source(%dma_start3A_59 : memref<8x128xf32, #tpu.memory_space<hbm>>) target(%dma_start3A_57 : memref<8x128xf32, #tpu.memory_space<vmem>>) target_semaphore(%arg16 : memref<!tpu.dma_semaphore, #tpu.memory_space<semaphore_mem>>)
    %add3A_60 = arith.constant 8 : i32
    %add3A_61 = arith.addi %mul3A_2, %add3A_60 : i32
    %dma_start3A_62 = arith.constant 8 : i32
    %dma_start3A_63 = arith.constant 0 : i32
    %dma_start3A_64 = tpu.memref_slice %arg8[%dma_start3A_62, %dma_start3A_63] : memref<64x128xf32, #tpu.memory_space<vmem>> -> memref<56x128xf32, #tpu.memory_space<vmem>>
    %dma_start3A_65 = arith.constant 0 : i32
    %dma_start3A_66 = tpu.memref_slice %arg4[%add3A_61, %dma_start3A_65] : memref<2048x128xf32, #tpu.memory_space<hbm>> -> memref<56x128xf32, #tpu.memory_space<hbm>>
    %dma_start3A_67 = arith.constant 8 : i32
    %dma_start3A_68 = arith.constant 0 : i32
    %dma_start3A_69 = tpu.memref_slice %arg8[%dma_start3A_67, %dma_start3A_68] : memref<64x128xf32, #tpu.memory_space<vmem>> -> memref<56x128xf32, #tpu.memory_space<vmem>>
    %dma_start3A_70 = arith.constant 0 : i32
    %dma_start3A_71 = tpu.memref_slice %arg4[%add3A_61, %dma_start3A_70] : memref<2048x128xf32, #tpu.memory_space<hbm>> -> memref<56x128xf32, #tpu.memory_space<hbm>>
    tpu.enqueue_dma source(%dma_start3A_71 : memref<56x128xf32, #tpu.memory_space<hbm>>) target(%dma_start3A_69 : memref<56x128xf32, #tpu.memory_space<vmem>>) target_semaphore(%arg17 : memref<!tpu.dma_semaphore, #tpu.memory_space<semaphore_mem>>)
    %dma_wait3A = arith.constant 0 : i32
    %dma_wait3A_72 = arith.constant 0 : i32
    %dma_wait3A_73 = arith.constant 0 : i32
    %dma_wait3A_74 = tpu.memref_slice %arg6[%dma_wait3A_72, %dma_wait3A_73] : memref<4x64xi32, #tpu.memory_space<vmem>> -> memref<1x64xi32, #tpu.memory_space<vmem>>
    %dma_wait3A_75 = tpu.memref_squeeze %dma_wait3A_74 : memref<1x64xi32, #tpu.memory_space<vmem>> -> memref<64xi32, #tpu.memory_space<vmem>>
    %dma_wait3A_76 = tpu.memref_slice %arg2[%dma_wait3A, %mul3A_2] : memref<4x2048xi32, #tpu.memory_space<hbm>> -> memref<1x64xi32, #tpu.memory_space<hbm>>
    %dma_wait3A_77 = tpu.memref_squeeze %dma_wait3A_76 : memref<1x64xi32, #tpu.memory_space<hbm>> -> memref<64xi32, #tpu.memory_space<hbm>>
    %dma_wait3A_78 = arith.constant 0 : i32
    %dma_wait3A_79 = tpu.memref_slice %arg6[%dma_wait3A_72, %dma_wait3A_78] : memref<4x64xi32, #tpu.memory_space<vmem>> -> memref<1x64xi32, #tpu.memory_space<vmem>>
    %dma_wait3A_80 = tpu.memref_squeeze %dma_wait3A_79 : memref<1x64xi32, #tpu.memory_space<vmem>> -> memref<64xi32, #tpu.memory_space<vmem>>
    %dma_wait3A_81 = tpu.memref_slice %arg2[%dma_wait3A, %mul3A_2] : memref<4x2048xi32, #tpu.memory_space<hbm>> -> memref<1x64xi32, #tpu.memory_space<hbm>>
    %dma_wait3A_82 = tpu.memref_squeeze %dma_wait3A_81 : memref<1x64xi32, #tpu.memory_space<hbm>> -> memref<64xi32, #tpu.memory_space<hbm>>
    tpu.wait_dma2 semaphore(%arg12 : memref<!tpu.dma_semaphore, #tpu.memory_space<semaphore_mem>>) src(%dma_wait3A_82 : memref<64xi32, #tpu.memory_space<hbm>>) dst(%dma_wait3A_80 : memref<64xi32, #tpu.memory_space<vmem>>)
    %dma_start3A_83 = arith.constant 0 : i32
    %dma_start3A_84 = arith.constant 0 : i32
    %dma_start3A_85 = arith.constant 0 : i32
    %dma_start3A_86 = tpu.memref_slice %arg7[%dma_start3A_84, %dma_start3A_85] : memref<256x128xf32, #tpu.memory_space<vmem>> -> memref<8x128xf32, #tpu.memory_space<vmem>>
    %dma_start3A_87 = arith.constant 0 : i32
    %dma_start3A_88 = tpu.memref_slice %arg6[%dma_start3A_83, %dma_start3A_87] : memref<4x64xi32, #tpu.memory_space<vmem>> -> memref<1x8xi32, #tpu.memory_space<vmem>>
    %dma_start3A_89 = tpu.memref_squeeze %dma_start3A_88 : memref<1x8xi32, #tpu.memory_space<vmem>> -> memref<8xi32, #tpu.memory_space<vmem>>
    %dma_start3A_90 = arith.constant 0 : i32
    %dma_start3A_91 = arith.constant 0 : i32
    %dma_start3A_92 = tpu.memref_slice %arg3[%dma_start3A_90, %dma_start3A_91] : memref<100000x128xf32, #tpu.memory_space<hbm>> -> memref<100000x128xf32, #tpu.memory_space<hbm>>
    tpu.enqueue_indirect_dma source(%dma_start3A_92 : memref<100000x128xf32, #tpu.memory_space<hbm>>) target(%dma_start3A_86 : memref<8x128xf32, #tpu.memory_space<vmem>>) offsets(%dma_start3A_89 : memref<8xi32, #tpu.memory_space<vmem>>) semaphore(%arg9 : memref<!tpu.dma_semaphore, #tpu.memory_space<semaphore_mem>>)
    %dma_start3A_93 = arith.constant 0 : i32
    %dma_start3A_94 = arith.constant 8 : i32
    %dma_start3A_95 = arith.constant 0 : i32
    %dma_start3A_96 = tpu.memref_slice %arg7[%dma_start3A_94, %dma_start3A_95] : memref<256x128xf32, #tpu.memory_space<vmem>> -> memref<24x128xf32, #tpu.memory_space<vmem>>
    %dma_start3A_97 = arith.constant 8 : i32
    %dma_start3A_98 = tpu.memref_slice %arg6[%dma_start3A_93, %dma_start3A_97] : memref<4x64xi32, #tpu.memory_space<vmem>> -> memref<1x24xi32, #tpu.memory_space<vmem>>
    %dma_start3A_99 = tpu.memref_squeeze %dma_start3A_98 : memref<1x24xi32, #tpu.memory_space<vmem>> -> memref<24xi32, #tpu.memory_space<vmem>>
    %dma_start3A_100 = arith.constant 0 : i32
    %dma_start3A_101 = arith.constant 0 : i32
    %dma_start3A_102 = tpu.memref_slice %arg3[%dma_start3A_100, %dma_start3A_101] : memref<100000x128xf32, #tpu.memory_space<hbm>> -> memref<100000x128xf32, #tpu.memory_space<hbm>>
    tpu.enqueue_indirect_dma source(%dma_start3A_102 : memref<100000x128xf32, #tpu.memory_space<hbm>>) target(%dma_start3A_96 : memref<24x128xf32, #tpu.memory_space<vmem>>) offsets(%dma_start3A_99 : memref<24xi32, #tpu.memory_space<vmem>>) semaphore(%arg10 : memref<!tpu.dma_semaphore, #tpu.memory_space<semaphore_mem>>)
    %dma_start3A_103 = arith.constant 0 : i32
    %dma_start3A_104 = arith.constant 32 : i32
    %dma_start3A_105 = arith.constant 0 : i32
    %dma_start3A_106 = tpu.memref_slice %arg7[%dma_start3A_104, %dma_start3A_105] : memref<256x128xf32, #tpu.memory_space<vmem>> -> memref<32x128xf32, #tpu.memory_space<vmem>>
    %dma_start3A_107 = arith.constant 32 : i32
    %dma_start3A_108 = tpu.memref_slice %arg6[%dma_start3A_103, %dma_start3A_107] : memref<4x64xi32, #tpu.memory_space<vmem>> -> memref<1x32xi32, #tpu.memory_space<vmem>>
    %dma_start3A_109 = tpu.memref_squeeze %dma_start3A_108 : memref<1x32xi32, #tpu.memory_space<vmem>> -> memref<32xi32, #tpu.memory_space<vmem>>
    %dma_start3A_110 = arith.constant 0 : i32
    %dma_start3A_111 = arith.constant 0 : i32
    %dma_start3A_112 = tpu.memref_slice %arg3[%dma_start3A_110, %dma_start3A_111] : memref<100000x128xf32, #tpu.memory_space<hbm>> -> memref<100000x128xf32, #tpu.memory_space<hbm>>
    tpu.enqueue_indirect_dma source(%dma_start3A_112 : memref<100000x128xf32, #tpu.memory_space<hbm>>) target(%dma_start3A_106 : memref<32x128xf32, #tpu.memory_space<vmem>>) offsets(%dma_start3A_109 : memref<32xi32, #tpu.memory_space<vmem>>) semaphore(%arg11 : memref<!tpu.dma_semaphore, #tpu.memory_space<semaphore_mem>>)
    %dma_wait3A_113 = arith.constant 1 : i32
    %dma_wait3A_114 = arith.constant 1 : i32
    %dma_wait3A_115 = arith.constant 0 : i32
    %dma_wait3A_116 = tpu.memref_slice %arg6[%dma_wait3A_114, %dma_wait3A_115] : memref<4x64xi32, #tpu.memory_space<vmem>> -> memref<1x64xi32, #tpu.memory_space<vmem>>
    %dma_wait3A_117 = tpu.memref_squeeze %dma_wait3A_116 : memref<1x64xi32, #tpu.memory_space<vmem>> -> memref<64xi32, #tpu.memory_space<vmem>>
    %dma_wait3A_118 = tpu.memref_slice %arg2[%dma_wait3A_113, %mul3A_2] : memref<4x2048xi32, #tpu.memory_space<hbm>> -> memref<1x64xi32, #tpu.memory_space<hbm>>
    %dma_wait3A_119 = tpu.memref_squeeze %dma_wait3A_118 : memref<1x64xi32, #tpu.memory_space<hbm>> -> memref<64xi32, #tpu.memory_space<hbm>>
    %dma_wait3A_120 = arith.constant 0 : i32
    %dma_wait3A_121 = tpu.memref_slice %arg6[%dma_wait3A_114, %dma_wait3A_120] : memref<4x64xi32, #tpu.memory_space<vmem>> -> memref<1x64xi32, #tpu.memory_space<vmem>>
    %dma_wait3A_122 = tpu.memref_squeeze %dma_wait3A_121 : memref<1x64xi32, #tpu.memory_space<vmem>> -> memref<64xi32, #tpu.memory_space<vmem>>
    %dma_wait3A_123 = tpu.memref_slice %arg2[%dma_wait3A_113, %mul3A_2] : memref<4x2048xi32, #tpu.memory_space<hbm>> -> memref<1x64xi32, #tpu.memory_space<hbm>>
    %dma_wait3A_124 = tpu.memref_squeeze %dma_wait3A_123 : memref<1x64xi32, #tpu.memory_space<hbm>> -> memref<64xi32, #tpu.memory_space<hbm>>
    tpu.wait_dma2 semaphore(%arg13 : memref<!tpu.dma_semaphore, #tpu.memory_space<semaphore_mem>>) src(%dma_wait3A_124 : memref<64xi32, #tpu.memory_space<hbm>>) dst(%dma_wait3A_122 : memref<64xi32, #tpu.memory_space<vmem>>)
    %dma_start3A_125 = arith.constant 1 : i32
    %dma_start3A_126 = arith.constant 64 : i32
    %dma_start3A_127 = arith.constant 0 : i32
    %dma_start3A_128 = tpu.memref_slice %arg7[%dma_start3A_126, %dma_start3A_127] : memref<256x128xf32, #tpu.memory_space<vmem>> -> memref<8x128xf32, #tpu.memory_space<vmem>>
    %dma_start3A_129 = arith.constant 0 : i32
    %dma_start3A_130 = tpu.memref_slice %arg6[%dma_start3A_125, %dma_start3A_129] : memref<4x64xi32, #tpu.memory_space<vmem>> -> memref<1x8xi32, #tpu.memory_space<vmem>>
    %dma_start3A_131 = tpu.memref_squeeze %dma_start3A_130 : memref<1x8xi32, #tpu.memory_space<vmem>> -> memref<8xi32, #tpu.memory_space<vmem>>
    %dma_start3A_132 = arith.constant 0 : i32
    %dma_start3A_133 = arith.constant 0 : i32
    %dma_start3A_134 = tpu.memref_slice %arg3[%dma_start3A_132, %dma_start3A_133] : memref<100000x128xf32, #tpu.memory_space<hbm>> -> memref<100000x128xf32, #tpu.memory_space<hbm>>
    tpu.enqueue_indirect_dma source(%dma_start3A_134 : memref<100000x128xf32, #tpu.memory_space<hbm>>) target(%dma_start3A_128 : memref<8x128xf32, #tpu.memory_space<vmem>>) offsets(%dma_start3A_131 : memref<8xi32, #tpu.memory_space<vmem>>) semaphore(%arg9 : memref<!tpu.dma_semaphore, #tpu.memory_space<semaphore_mem>>)
    %dma_start3A_135 = arith.constant 1 : i32
    %dma_start3A_136 = arith.constant 72 : i32
    %dma_start3A_137 = arith.constant 0 : i32
    %dma_start3A_138 = tpu.memref_slice %arg7[%dma_start3A_136, %dma_start3A_137] : memref<256x128xf32, #tpu.memory_space<vmem>> -> memref<24x128xf32, #tpu.memory_space<vmem>>
    %dma_start3A_139 = arith.constant 8 : i32
    %dma_start3A_140 = tpu.memref_slice %arg6[%dma_start3A_135, %dma_start3A_139] : memref<4x64xi32, #tpu.memory_space<vmem>> -> memref<1x24xi32, #tpu.memory_space<vmem>>
    %dma_start3A_141 = tpu.memref_squeeze %dma_start3A_140 : memref<1x24xi32, #tpu.memory_space<vmem>> -> memref<24xi32, #tpu.memory_space<vmem>>
    %dma_start3A_142 = arith.constant 0 : i32
    %dma_start3A_143 = arith.constant 0 : i32
    %dma_start3A_144 = tpu.memref_slice %arg3[%dma_start3A_142, %dma_start3A_143] : memref<100000x128xf32, #tpu.memory_space<hbm>> -> memref<100000x128xf32, #tpu.memory_space<hbm>>
    tpu.enqueue_indirect_dma source(%dma_start3A_144 : memref<100000x128xf32, #tpu.memory_space<hbm>>) target(%dma_start3A_138 : memref<24x128xf32, #tpu.memory_space<vmem>>) offsets(%dma_start3A_141 : memref<24xi32, #tpu.memory_space<vmem>>) semaphore(%arg10 : memref<!tpu.dma_semaphore, #tpu.memory_space<semaphore_mem>>)
    %dma_start3A_145 = arith.constant 1 : i32
    %dma_start3A_146 = arith.constant 96 : i32
    %dma_start3A_147 = arith.constant 0 : i32
    %dma_start3A_148 = tpu.memref_slice %arg7[%dma_start3A_146, %dma_start3A_147] : memref<256x128xf32, #tpu.memory_space<vmem>> -> memref<32x128xf32, #tpu.memory_space<vmem>>
    %dma_start3A_149 = arith.constant 32 : i32
    %dma_start3A_150 = tpu.memref_slice %arg6[%dma_start3A_145, %dma_start3A_149] : memref<4x64xi32, #tpu.memory_space<vmem>> -> memref<1x32xi32, #tpu.memory_space<vmem>>
    %dma_start3A_151 = tpu.memref_squeeze %dma_start3A_150 : memref<1x32xi32, #tpu.memory_space<vmem>> -> memref<32xi32, #tpu.memory_space<vmem>>
    %dma_start3A_152 = arith.constant 0 : i32
    %dma_start3A_153 = arith.constant 0 : i32
    %dma_start3A_154 = tpu.memref_slice %arg3[%dma_start3A_152, %dma_start3A_153] : memref<100000x128xf32, #tpu.memory_space<hbm>> -> memref<100000x128xf32, #tpu.memory_space<hbm>>
    tpu.enqueue_indirect_dma source(%dma_start3A_154 : memref<100000x128xf32, #tpu.memory_space<hbm>>) target(%dma_start3A_148 : memref<32x128xf32, #tpu.memory_space<vmem>>) offsets(%dma_start3A_151 : memref<32xi32, #tpu.memory_space<vmem>>) semaphore(%arg11 : memref<!tpu.dma_semaphore, #tpu.memory_space<semaphore_mem>>)
    %dma_wait3A_155 = arith.constant 2 : i32
    %dma_wait3A_156 = arith.constant 2 : i32
    %dma_wait3A_157 = arith.constant 0 : i32
    %dma_wait3A_158 = tpu.memref_slice %arg6[%dma_wait3A_156, %dma_wait3A_157] : memref<4x64xi32, #tpu.memory_space<vmem>> -> memref<1x64xi32, #tpu.memory_space<vmem>>
    %dma_wait3A_159 = tpu.memref_squeeze %dma_wait3A_158 : memref<1x64xi32, #tpu.memory_space<vmem>> -> memref<64xi32, #tpu.memory_space<vmem>>
    %dma_wait3A_160 = tpu.memref_slice %arg2[%dma_wait3A_155, %mul3A_2] : memref<4x2048xi32, #tpu.memory_space<hbm>> -> memref<1x64xi32, #tpu.memory_space<hbm>>
    %dma_wait3A_161 = tpu.memref_squeeze %dma_wait3A_160 : memref<1x64xi32, #tpu.memory_space<hbm>> -> memref<64xi32, #tpu.memory_space<hbm>>
    %dma_wait3A_162 = arith.constant 0 : i32
    %dma_wait3A_163 = tpu.memref_slice %arg6[%dma_wait3A_156, %dma_wait3A_162] : memref<4x64xi32, #tpu.memory_space<vmem>> -> memref<1x64xi32, #tpu.memory_space<vmem>>
    %dma_wait3A_164 = tpu.memref_squeeze %dma_wait3A_163 : memref<1x64xi32, #tpu.memory_space<vmem>> -> memref<64xi32, #tpu.memory_space<vmem>>
    %dma_wait3A_165 = tpu.memref_slice %arg2[%dma_wait3A_155, %mul3A_2] : memref<4x2048xi32, #tpu.memory_space<hbm>> -> memref<1x64xi32, #tpu.memory_space<hbm>>
    %dma_wait3A_166 = tpu.memref_squeeze %dma_wait3A_165 : memref<1x64xi32, #tpu.memory_space<hbm>> -> memref<64xi32, #tpu.memory_space<hbm>>
    tpu.wait_dma2 semaphore(%arg14 : memref<!tpu.dma_semaphore, #tpu.memory_space<semaphore_mem>>) src(%dma_wait3A_166 : memref<64xi32, #tpu.memory_space<hbm>>) dst(%dma_wait3A_164 : memref<64xi32, #tpu.memory_space<vmem>>)
    %dma_start3A_167 = arith.constant 2 : i32
    %dma_start3A_168 = arith.constant 128 : i32
    %dma_start3A_169 = arith.constant 0 : i32
    %dma_start3A_170 = tpu.memref_slice %arg7[%dma_start3A_168, %dma_start3A_169] : memref<256x128xf32, #tpu.memory_space<vmem>> -> memref<8x128xf32, #tpu.memory_space<vmem>>
    %dma_start3A_171 = arith.constant 0 : i32
    %dma_start3A_172 = tpu.memref_slice %arg6[%dma_start3A_167, %dma_start3A_171] : memref<4x64xi32, #tpu.memory_space<vmem>> -> memref<1x8xi32, #tpu.memory_space<vmem>>
    %dma_start3A_173 = tpu.memref_squeeze %dma_start3A_172 : memref<1x8xi32, #tpu.memory_space<vmem>> -> memref<8xi32, #tpu.memory_space<vmem>>
    %dma_start3A_174 = arith.constant 0 : i32
    %dma_start3A_175 = arith.constant 0 : i32
    %dma_start3A_176 = tpu.memref_slice %arg3[%dma_start3A_174, %dma_start3A_175] : memref<100000x128xf32, #tpu.memory_space<hbm>> -> memref<100000x128xf32, #tpu.memory_space<hbm>>
    tpu.enqueue_indirect_dma source(%dma_start3A_176 : memref<100000x128xf32, #tpu.memory_space<hbm>>) target(%dma_start3A_170 : memref<8x128xf32, #tpu.memory_space<vmem>>) offsets(%dma_start3A_173 : memref<8xi32, #tpu.memory_space<vmem>>) semaphore(%arg9 : memref<!tpu.dma_semaphore, #tpu.memory_space<semaphore_mem>>)
    %dma_start3A_177 = arith.constant 2 : i32
    %dma_start3A_178 = arith.constant 136 : i32
    %dma_start3A_179 = arith.constant 0 : i32
    %dma_start3A_180 = tpu.memref_slice %arg7[%dma_start3A_178, %dma_start3A_179] : memref<256x128xf32, #tpu.memory_space<vmem>> -> memref<24x128xf32, #tpu.memory_space<vmem>>
    %dma_start3A_181 = arith.constant 8 : i32
    %dma_start3A_182 = tpu.memref_slice %arg6[%dma_start3A_177, %dma_start3A_181] : memref<4x64xi32, #tpu.memory_space<vmem>> -> memref<1x24xi32, #tpu.memory_space<vmem>>
    %dma_start3A_183 = tpu.memref_squeeze %dma_start3A_182 : memref<1x24xi32, #tpu.memory_space<vmem>> -> memref<24xi32, #tpu.memory_space<vmem>>
    %dma_start3A_184 = arith.constant 0 : i32
    %dma_start3A_185 = arith.constant 0 : i32
    %dma_start3A_186 = tpu.memref_slice %arg3[%dma_start3A_184, %dma_start3A_185] : memref<100000x128xf32, #tpu.memory_space<hbm>> -> memref<100000x128xf32, #tpu.memory_space<hbm>>
    tpu.enqueue_indirect_dma source(%dma_start3A_186 : memref<100000x128xf32, #tpu.memory_space<hbm>>) target(%dma_start3A_180 : memref<24x128xf32, #tpu.memory_space<vmem>>) offsets(%dma_start3A_183 : memref<24xi32, #tpu.memory_space<vmem>>) semaphore(%arg10 : memref<!tpu.dma_semaphore, #tpu.memory_space<semaphore_mem>>)
    %dma_start3A_187 = arith.constant 2 : i32
    %dma_start3A_188 = arith.constant 160 : i32
    %dma_start3A_189 = arith.constant 0 : i32
    %dma_start3A_190 = tpu.memref_slice %arg7[%dma_start3A_188, %dma_start3A_189] : memref<256x128xf32, #tpu.memory_space<vmem>> -> memref<32x128xf32, #tpu.memory_space<vmem>>
    %dma_start3A_191 = arith.constant 32 : i32
    %dma_start3A_192 = tpu.memref_slice %arg6[%dma_start3A_187, %dma_start3A_191] : memref<4x64xi32, #tpu.memory_space<vmem>> -> memref<1x32xi32, #tpu.memory_space<vmem>>
    %dma_start3A_193 = tpu.memref_squeeze %dma_start3A_192 : memref<1x32xi32, #tpu.memory_space<vmem>> -> memref<32xi32, #tpu.memory_space<vmem>>
    %dma_start3A_194 = arith.constant 0 : i32
    %dma_start3A_195 = arith.constant 0 : i32
    %dma_start3A_196 = tpu.memref_slice %arg3[%dma_start3A_194, %dma_start3A_195] : memref<100000x128xf32, #tpu.memory_space<hbm>> -> memref<100000x128xf32, #tpu.memory_space<hbm>>
    tpu.enqueue_indirect_dma source(%dma_start3A_196 : memref<100000x128xf32, #tpu.memory_space<hbm>>) target(%dma_start3A_190 : memref<32x128xf32, #tpu.memory_space<vmem>>) offsets(%dma_start3A_193 : memref<32xi32, #tpu.memory_space<vmem>>) semaphore(%arg11 : memref<!tpu.dma_semaphore, #tpu.memory_space<semaphore_mem>>)
    %dma_wait3A_197 = arith.constant 3 : i32
    %dma_wait3A_198 = arith.constant 3 : i32
    %dma_wait3A_199 = arith.constant 0 : i32
    %dma_wait3A_200 = tpu.memref_slice %arg6[%dma_wait3A_198, %dma_wait3A_199] : memref<4x64xi32, #tpu.memory_space<vmem>> -> memref<1x64xi32, #tpu.memory_space<vmem>>
    %dma_wait3A_201 = tpu.memref_squeeze %dma_wait3A_200 : memref<1x64xi32, #tpu.memory_space<vmem>> -> memref<64xi32, #tpu.memory_space<vmem>>
    %dma_wait3A_202 = tpu.memref_slice %arg2[%dma_wait3A_197, %mul3A_2] : memref<4x2048xi32, #tpu.memory_space<hbm>> -> memref<1x64xi32, #tpu.memory_space<hbm>>
    %dma_wait3A_203 = tpu.memref_squeeze %dma_wait3A_202 : memref<1x64xi32, #tpu.memory_space<hbm>> -> memref<64xi32, #tpu.memory_space<hbm>>
    %dma_wait3A_204 = arith.constant 0 : i32
    %dma_wait3A_205 = tpu.memref_slice %arg6[%dma_wait3A_198, %dma_wait3A_204] : memref<4x64xi32, #tpu.memory_space<vmem>> -> memref<1x64xi32, #tpu.memory_space<vmem>>
    %dma_wait3A_206 = tpu.memref_squeeze %dma_wait3A_205 : memref<1x64xi32, #tpu.memory_space<vmem>> -> memref<64xi32, #tpu.memory_space<vmem>>
    %dma_wait3A_207 = tpu.memref_slice %arg2[%dma_wait3A_197, %mul3A_2] : memref<4x2048xi32, #tpu.memory_space<hbm>> -> memref<1x64xi32, #tpu.memory_space<hbm>>
    %dma_wait3A_208 = tpu.memref_squeeze %dma_wait3A_207 : memref<1x64xi32, #tpu.memory_space<hbm>> -> memref<64xi32, #tpu.memory_space<hbm>>
    tpu.wait_dma2 semaphore(%arg15 : memref<!tpu.dma_semaphore, #tpu.memory_space<semaphore_mem>>) src(%dma_wait3A_208 : memref<64xi32, #tpu.memory_space<hbm>>) dst(%dma_wait3A_206 : memref<64xi32, #tpu.memory_space<vmem>>)
    %dma_start3A_209 = arith.constant 3 : i32
    %dma_start3A_210 = arith.constant 192 : i32
    %dma_start3A_211 = arith.constant 0 : i32
    %dma_start3A_212 = tpu.memref_slice %arg7[%dma_start3A_210, %dma_start3A_211] : memref<256x128xf32, #tpu.memory_space<vmem>> -> memref<8x128xf32, #tpu.memory_space<vmem>>
    %dma_start3A_213 = arith.constant 0 : i32
    %dma_start3A_214 = tpu.memref_slice %arg6[%dma_start3A_209, %dma_start3A_213] : memref<4x64xi32, #tpu.memory_space<vmem>> -> memref<1x8xi32, #tpu.memory_space<vmem>>
    %dma_start3A_215 = tpu.memref_squeeze %dma_start3A_214 : memref<1x8xi32, #tpu.memory_space<vmem>> -> memref<8xi32, #tpu.memory_space<vmem>>
    %dma_start3A_216 = arith.constant 0 : i32
    %dma_start3A_217 = arith.constant 0 : i32
    %dma_start3A_218 = tpu.memref_slice %arg3[%dma_start3A_216, %dma_start3A_217] : memref<100000x128xf32, #tpu.memory_space<hbm>> -> memref<100000x128xf32, #tpu.memory_space<hbm>>
    tpu.enqueue_indirect_dma source(%dma_start3A_218 : memref<100000x128xf32, #tpu.memory_space<hbm>>) target(%dma_start3A_212 : memref<8x128xf32, #tpu.memory_space<vmem>>) offsets(%dma_start3A_215 : memref<8xi32, #tpu.memory_space<vmem>>) semaphore(%arg9 : memref<!tpu.dma_semaphore, #tpu.memory_space<semaphore_mem>>)
    %dma_start3A_219 = arith.constant 3 : i32
    %dma_start3A_220 = arith.constant 200 : i32
    %dma_start3A_221 = arith.constant 0 : i32
    %dma_start3A_222 = tpu.memref_slice %arg7[%dma_start3A_220, %dma_start3A_221] : memref<256x128xf32, #tpu.memory_space<vmem>> -> memref<24x128xf32, #tpu.memory_space<vmem>>
    %dma_start3A_223 = arith.constant 8 : i32
    %dma_start3A_224 = tpu.memref_slice %arg6[%dma_start3A_219, %dma_start3A_223] : memref<4x64xi32, #tpu.memory_space<vmem>> -> memref<1x24xi32, #tpu.memory_space<vmem>>
    %dma_start3A_225 = tpu.memref_squeeze %dma_start3A_224 : memref<1x24xi32, #tpu.memory_space<vmem>> -> memref<24xi32, #tpu.memory_space<vmem>>
    %dma_start3A_226 = arith.constant 0 : i32
    %dma_start3A_227 = arith.constant 0 : i32
    %dma_start3A_228 = tpu.memref_slice %arg3[%dma_start3A_226, %dma_start3A_227] : memref<100000x128xf32, #tpu.memory_space<hbm>> -> memref<100000x128xf32, #tpu.memory_space<hbm>>
    tpu.enqueue_indirect_dma source(%dma_start3A_228 : memref<100000x128xf32, #tpu.memory_space<hbm>>) target(%dma_start3A_222 : memref<24x128xf32, #tpu.memory_space<vmem>>) offsets(%dma_start3A_225 : memref<24xi32, #tpu.memory_space<vmem>>) semaphore(%arg10 : memref<!tpu.dma_semaphore, #tpu.memory_space<semaphore_mem>>)
    %dma_start3A_229 = arith.constant 3 : i32
    %dma_start3A_230 = arith.constant 224 : i32
    %dma_start3A_231 = arith.constant 0 : i32
    %dma_start3A_232 = tpu.memref_slice %arg7[%dma_start3A_230, %dma_start3A_231] : memref<256x128xf32, #tpu.memory_space<vmem>> -> memref<32x128xf32, #tpu.memory_space<vmem>>
    %dma_start3A_233 = arith.constant 32 : i32
    %dma_start3A_234 = tpu.memref_slice %arg6[%dma_start3A_229, %dma_start3A_233] : memref<4x64xi32, #tpu.memory_space<vmem>> -> memref<1x32xi32, #tpu.memory_space<vmem>>
    %dma_start3A_235 = tpu.memref_squeeze %dma_start3A_234 : memref<1x32xi32, #tpu.memory_space<vmem>> -> memref<32xi32, #tpu.memory_space<vmem>>
    %dma_start3A_236 = arith.constant 0 : i32
    %dma_start3A_237 = arith.constant 0 : i32
    %dma_start3A_238 = tpu.memref_slice %arg3[%dma_start3A_236, %dma_start3A_237] : memref<100000x128xf32, #tpu.memory_space<hbm>> -> memref<100000x128xf32, #tpu.memory_space<hbm>>
    tpu.enqueue_indirect_dma source(%dma_start3A_238 : memref<100000x128xf32, #tpu.memory_space<hbm>>) target(%dma_start3A_232 : memref<32x128xf32, #tpu.memory_space<vmem>>) offsets(%dma_start3A_235 : memref<32xi32, #tpu.memory_space<vmem>>) semaphore(%arg11 : memref<!tpu.dma_semaphore, #tpu.memory_space<semaphore_mem>>)
    %dma_wait3A_239 = arith.constant 0 : i32
    %dma_wait3A_240 = arith.constant 0 : i32
    %dma_wait3A_241 = tpu.memref_slice %arg8[%dma_wait3A_239, %dma_wait3A_240] : memref<64x128xf32, #tpu.memory_space<vmem>> -> memref<8x128xf32, #tpu.memory_space<vmem>>
    %dma_wait3A_242 = arith.constant 0 : i32
    %dma_wait3A_243 = tpu.memref_slice %arg4[%mul3A_2, %dma_wait3A_242] : memref<2048x128xf32, #tpu.memory_space<hbm>> -> memref<8x128xf32, #tpu.memory_space<hbm>>
    %dma_wait3A_244 = arith.constant 0 : i32
    %dma_wait3A_245 = arith.constant 0 : i32
    %dma_wait3A_246 = tpu.memref_slice %arg8[%dma_wait3A_244, %dma_wait3A_245] : memref<64x128xf32, #tpu.memory_space<vmem>> -> memref<8x128xf32, #tpu.memory_space<vmem>>
    %dma_wait3A_247 = arith.constant 0 : i32
    %dma_wait3A_248 = tpu.memref_slice %arg4[%mul3A_2, %dma_wait3A_247] : memref<2048x128xf32, #tpu.memory_space<hbm>> -> memref<8x128xf32, #tpu.memory_space<hbm>>
    tpu.wait_dma2 semaphore(%arg16 : memref<!tpu.dma_semaphore, #tpu.memory_space<semaphore_mem>>) src(%dma_wait3A_248 : memref<8x128xf32, #tpu.memory_space<hbm>>) dst(%dma_wait3A_246 : memref<8x128xf32, #tpu.memory_space<vmem>>)
    %dma_wait3A_249 = arith.constant 0 : i32
    %dma_wait3A_250 = arith.constant 0 : i32
    %dma_wait3A_251 = arith.constant 0 : i32
    %dma_wait3A_252 = tpu.memref_slice %arg7[%dma_wait3A_250, %dma_wait3A_251] : memref<256x128xf32, #tpu.memory_space<vmem>> -> memref<8x128xf32, #tpu.memory_space<vmem>>
    %dma_wait3A_253 = arith.constant 0 : i32
    %dma_wait3A_254 = tpu.memref_slice %arg6[%dma_wait3A_249, %dma_wait3A_253] : memref<4x64xi32, #tpu.memory_space<vmem>> -> memref<1x8xi32, #tpu.memory_space<vmem>>
    %dma_wait3A_255 = tpu.memref_squeeze %dma_wait3A_254 : memref<1x8xi32, #tpu.memory_space<vmem>> -> memref<8xi32, #tpu.memory_space<vmem>>
    %dma_wait3A_256 = arith.constant 0 : i32
    %dma_wait3A_257 = arith.constant 0 : i32
    %dma_wait3A_258 = tpu.memref_slice %arg3[%dma_wait3A_256, %dma_wait3A_257] : memref<100000x128xf32, #tpu.memory_space<hbm>> -> memref<100000x128xf32, #tpu.memory_space<hbm>>
    tpu.wait_indirect_dma semaphore(%arg9 : memref<!tpu.dma_semaphore, #tpu.memory_space<semaphore_mem>>) src(%dma_wait3A_258 : memref<100000x128xf32, #tpu.memory_space<hbm>>) dst(%dma_wait3A_252 : memref<8x128xf32, #tpu.memory_space<vmem>>)
    %dma_wait3A_259 = arith.constant 1 : i32
    %dma_wait3A_260 = arith.constant 64 : i32
    %dma_wait3A_261 = arith.constant 0 : i32
    %dma_wait3A_262 = tpu.memref_slice %arg7[%dma_wait3A_260, %dma_wait3A_261] : memref<256x128xf32, #tpu.memory_space<vmem>> -> memref<8x128xf32, #tpu.memory_space<vmem>>
    %dma_wait3A_263 = arith.constant 0 : i32
    %dma_wait3A_264 = tpu.memref_slice %arg6[%dma_wait3A_259, %dma_wait3A_263] : memref<4x64xi32, #tpu.memory_space<vmem>> -> memref<1x8xi32, #tpu.memory_space<vmem>>
    %dma_wait3A_265 = tpu.memref_squeeze %dma_wait3A_264 : memref<1x8xi32, #tpu.memory_space<vmem>> -> memref<8xi32, #tpu.memory_space<vmem>>
    %dma_wait3A_266 = arith.constant 0 : i32
    %dma_wait3A_267 = arith.constant 0 : i32
    %dma_wait3A_268 = tpu.memref_slice %arg3[%dma_wait3A_266, %dma_wait3A_267] : memref<100000x128xf32, #tpu.memory_space<hbm>> -> memref<100000x128xf32, #tpu.memory_space<hbm>>
    tpu.wait_indirect_dma semaphore(%arg9 : memref<!tpu.dma_semaphore, #tpu.memory_space<semaphore_mem>>) src(%dma_wait3A_268 : memref<100000x128xf32, #tpu.memory_space<hbm>>) dst(%dma_wait3A_262 : memref<8x128xf32, #tpu.memory_space<vmem>>)
    %dma_wait3A_269 = arith.constant 2 : i32
    %dma_wait3A_270 = arith.constant 128 : i32
    %dma_wait3A_271 = arith.constant 0 : i32
    %dma_wait3A_272 = tpu.memref_slice %arg7[%dma_wait3A_270, %dma_wait3A_271] : memref<256x128xf32, #tpu.memory_space<vmem>> -> memref<8x128xf32, #tpu.memory_space<vmem>>
    %dma_wait3A_273 = arith.constant 0 : i32
    %dma_wait3A_274 = tpu.memref_slice %arg6[%dma_wait3A_269, %dma_wait3A_273] : memref<4x64xi32, #tpu.memory_space<vmem>> -> memref<1x8xi32, #tpu.memory_space<vmem>>
    %dma_wait3A_275 = tpu.memref_squeeze %dma_wait3A_274 : memref<1x8xi32, #tpu.memory_space<vmem>> -> memref<8xi32, #tpu.memory_space<vmem>>
    %dma_wait3A_276 = arith.constant 0 : i32
    %dma_wait3A_277 = arith.constant 0 : i32
    %dma_wait3A_278 = tpu.memref_slice %arg3[%dma_wait3A_276, %dma_wait3A_277] : memref<100000x128xf32, #tpu.memory_space<hbm>> -> memref<100000x128xf32, #tpu.memory_space<hbm>>
    tpu.wait_indirect_dma semaphore(%arg9 : memref<!tpu.dma_semaphore, #tpu.memory_space<semaphore_mem>>) src(%dma_wait3A_278 : memref<100000x128xf32, #tpu.memory_space<hbm>>) dst(%dma_wait3A_272 : memref<8x128xf32, #tpu.memory_space<vmem>>)
    %dma_wait3A_279 = arith.constant 3 : i32
    %dma_wait3A_280 = arith.constant 192 : i32
    %dma_wait3A_281 = arith.constant 0 : i32
    %dma_wait3A_282 = tpu.memref_slice %arg7[%dma_wait3A_280, %dma_wait3A_281] : memref<256x128xf32, #tpu.memory_space<vmem>> -> memref<8x128xf32, #tpu.memory_space<vmem>>
    %dma_wait3A_283 = arith.constant 0 : i32
    %dma_wait3A_284 = tpu.memref_slice %arg6[%dma_wait3A_279, %dma_wait3A_283] : memref<4x64xi32, #tpu.memory_space<vmem>> -> memref<1x8xi32, #tpu.memory_space<vmem>>
    %dma_wait3A_285 = tpu.memref_squeeze %dma_wait3A_284 : memref<1x8xi32, #tpu.memory_space<vmem>> -> memref<8xi32, #tpu.memory_space<vmem>>
    %dma_wait3A_286 = arith.constant 0 : i32
    %dma_wait3A_287 = arith.constant 0 : i32
    %dma_wait3A_288 = tpu.memref_slice %arg3[%dma_wait3A_286, %dma_wait3A_287] : memref<100000x128xf32, #tpu.memory_space<hbm>> -> memref<100000x128xf32, #tpu.memory_space<hbm>>
    tpu.wait_indirect_dma semaphore(%arg9 : memref<!tpu.dma_semaphore, #tpu.memory_space<semaphore_mem>>) src(%dma_wait3A_288 : memref<100000x128xf32, #tpu.memory_space<hbm>>) dst(%dma_wait3A_282 : memref<8x128xf32, #tpu.memory_space<vmem>>)
    %scan3A = arith.constant 0 : i32
    %scan3A_289 = arith.constant 0 : i32
    %scan3A_290 = arith.constant 8 : i32
    %scan3A_291 = arith.addi %scan3A_289, %scan3A_290 : i32
    %scan3A_292 = arith.constant 1 : i32
    scf.for %scan3A_684 = %scan3A_289 to %scan3A_291 step %scan3A_292  : i32 {
      %add3A_685 = arith.constant 0 : i32
      %add3A_686 = arith.addi %add3A_685, %scan3A_684 : i32
      %get3A = arith.index_cast %add3A_686 : i32 to index
      %get3A_687 = arith.constant 0 : index
      %get3A_688 = tpu.vector_load %arg8[%get3A, %get3A_687] {strides = array<i32>} : memref<64x128xf32, #tpu.memory_space<vmem>>, vector<1x16xf32>,
      %get3A_689 = vector.shape_cast %get3A_688 : vector<1x16xf32> to vector<16xf32>
      %add3A_690 = arith.constant 0 : i32
      %add3A_691 = arith.addi %add3A_690, %scan3A_684 : i32
      %swap3A = arith.index_cast %add3A_691 : i32 to index
      %swap3A_692 = arith.constant 0 : index
      %swap3A_693 = tpu.vector_load %arg7[%swap3A, %swap3A_692] {strides = array<i32>} : memref<256x128xf32, #tpu.memory_space<vmem>>, vector<1x16xf32>,
      %swap3A_694 = vector.shape_cast %swap3A_693 : vector<1x16xf32> to vector<16xf32>
      %swap3A_695 = vector.shape_cast %get3A_689 : vector<16xf32> to vector<1x16xf32>
      tpu.vector_store %arg7[%swap3A, %swap3A_692], %swap3A_695 {add = true, strides = array<i32>} : memref<256x128xf32, #tpu.memory_space<vmem>>, vector<1x16xf32>,
      %add3A_696 = arith.constant 64 : i32
      %add3A_697 = arith.addi %add3A_696, %scan3A_684 : i32
      %swap3A_698 = arith.index_cast %add3A_697 : i32 to index
      %swap3A_699 = arith.constant 0 : index
      %swap3A_700 = tpu.vector_load %arg7[%swap3A_698, %swap3A_699] {strides = array<i32>} : memref<256x128xf32, #tpu.memory_space<vmem>>, vector<1x16xf32>,
      %swap3A_701 = vector.shape_cast %swap3A_700 : vector<1x16xf32> to vector<16xf32>
      %swap3A_702 = vector.shape_cast %get3A_689 : vector<16xf32> to vector<1x16xf32>
      tpu.vector_store %arg7[%swap3A_698, %swap3A_699], %swap3A_702 {add = true, strides = array<i32>} : memref<256x128xf32, #tpu.memory_space<vmem>>, vector<1x16xf32>,
      %add3A_703 = arith.constant 128 : i32
      %add3A_704 = arith.addi %add3A_703, %scan3A_684 : i32
      %swap3A_705 = arith.index_cast %add3A_704 : i32 to index
      %swap3A_706 = arith.constant 0 : index
      %swap3A_707 = tpu.vector_load %arg7[%swap3A_705, %swap3A_706] {strides = array<i32>} : memref<256x128xf32, #tpu.memory_space<vmem>>, vector<1x16xf32>,
      %swap3A_708 = vector.shape_cast %swap3A_707 : vector<1x16xf32> to vector<16xf32>
      %swap3A_709 = vector.shape_cast %get3A_689 : vector<16xf32> to vector<1x16xf32>
      tpu.vector_store %arg7[%swap3A_705, %swap3A_706], %swap3A_709 {add = true, strides = array<i32>} : memref<256x128xf32, #tpu.memory_space<vmem>>, vector<1x16xf32>,
      %add3A_710 = arith.constant 192 : i32
      %add3A_711 = arith.addi %add3A_710, %scan3A_684 : i32
      %swap3A_712 = arith.index_cast %add3A_711 : i32 to index
      %swap3A_713 = arith.constant 0 : index
      %swap3A_714 = tpu.vector_load %arg7[%swap3A_712, %swap3A_713] {strides = array<i32>} : memref<256x128xf32, #tpu.memory_space<vmem>>, vector<1x16xf32>,
      %swap3A_715 = vector.shape_cast %swap3A_714 : vector<1x16xf32> to vector<16xf32>
      %swap3A_716 = vector.shape_cast %get3A_689 : vector<16xf32> to vector<1x16xf32>
      tpu.vector_store %arg7[%swap3A_712, %swap3A_713], %swap3A_716 {add = true, strides = array<i32>} : memref<256x128xf32, #tpu.memory_space<vmem>>, vector<1x16xf32>,
      %add3A_717 = arith.constant 0 : i32
      %add3A_718 = arith.addi %add3A_717, %scan3A_684 : i32
      %get3A_719 = arith.index_cast %add3A_718 : i32 to index
      %get3A_720 = arith.constant 16 : index
      %get3A_721 = tpu.vector_load %arg8[%get3A_719, %get3A_720] {strides = array<i32>} : memref<64x128xf32, #tpu.memory_space<vmem>>, vector<1x16xf32>,
      %get3A_722 = vector.shape_cast %get3A_721 : vector<1x16xf32> to vector<16xf32>
      %add3A_723 = arith.constant 0 : i32
      %add3A_724 = arith.addi %add3A_723, %scan3A_684 : i32
      %swap3A_725 = arith.index_cast %add3A_724 : i32 to index
      %swap3A_726 = arith.constant 16 : index
      %swap3A_727 = tpu.vector_load %arg7[%swap3A_725, %swap3A_726] {strides = array<i32>} : memref<256x128xf32, #tpu.memory_space<vmem>>, vector<1x16xf32>,
      %swap3A_728 = vector.shape_cast %swap3A_727 : vector<1x16xf32> to vector<16xf32>
      %swap3A_729 = vector.shape_cast %get3A_722 : vector<16xf32> to vector<1x16xf32>
      tpu.vector_store %arg7[%swap3A_725, %swap3A_726], %swap3A_729 {add = true, strides = array<i32>} : memref<256x128xf32, #tpu.memory_space<vmem>>, vector<1x16xf32>,
      %add3A_730 = arith.constant 64 : i32
      %add3A_731 = arith.addi %add3A_730, %scan3A_684 : i32
      %swap3A_732 = arith.index_cast %add3A_731 : i32 to index
      %swap3A_733 = arith.constant 16 : index
      %swap3A_734 = tpu.vector_load %arg7[%swap3A_732, %swap3A_733] {strides = array<i32>} : memref<256x128xf32, #tpu.memory_space<vmem>>, vector<1x16xf32>,
      %swap3A_735 = vector.shape_cast %swap3A_734 : vector<1x16xf32> to vector<16xf32>
      %swap3A_736 = vector.shape_cast %get3A_722 : vector<16xf32> to vector<1x16xf32>
      tpu.vector_store %arg7[%swap3A_732, %swap3A_733], %swap3A_736 {add = true, strides = array<i32>} : memref<256x128xf32, #tpu.memory_space<vmem>>, vector<1x16xf32>,
      %add3A_737 = arith.constant 128 : i32
      %add3A_738 = arith.addi %add3A_737, %scan3A_684 : i32
      %swap3A_739 = arith.index_cast %add3A_738 : i32 to index
      %swap3A_740 = arith.constant 16 : index
      %swap3A_741 = tpu.vector_load %arg7[%swap3A_739, %swap3A_740] {strides = array<i32>} : memref<256x128xf32, #tpu.memory_space<vmem>>, vector<1x16xf32>,
      %swap3A_742 = vector.shape_cast %swap3A_741 : vector<1x16xf32> to vector<16xf32>
      %swap3A_743 = vector.shape_cast %get3A_722 : vector<16xf32> to vector<1x16xf32>
      tpu.vector_store %arg7[%swap3A_739, %swap3A_740], %swap3A_743 {add = true, strides = array<i32>} : memref<256x128xf32, #tpu.memory_space<vmem>>, vector<1x16xf32>,
      %add3A_744 = arith.constant 192 : i32
      %add3A_745 = arith.addi %add3A_744, %scan3A_684 : i32
      %swap3A_746 = arith.index_cast %add3A_745 : i32 to index
      %swap3A_747 = arith.constant 16 : index
      %swap3A_748 = tpu.vector_load %arg7[%swap3A_746, %swap3A_747] {strides = array<i32>} : memref<256x128xf32, #tpu.memory_space<vmem>>, vector<1x16xf32>,
      %swap3A_749 = vector.shape_cast %swap3A_748 : vector<1x16xf32> to vector<16xf32>
      %swap3A_750 = vector.shape_cast %get3A_722 : vector<16xf32> to vector<1x16xf32>
      tpu.vector_store %arg7[%swap3A_746, %swap3A_747], %swap3A_750 {add = true, strides = array<i32>} : memref<256x128xf32, #tpu.memory_space<vmem>>, vector<1x16xf32>,
      %add3A_751 = arith.constant 0 : i32
      %add3A_752 = arith.addi %add3A_751, %scan3A_684 : i32
      %get3A_753 = arith.index_cast %add3A_752 : i32 to index
      %get3A_754 = arith.constant 32 : index
      %get3A_755 = tpu.vector_load %arg8[%get3A_753, %get3A_754] {strides = array<i32>} : memref<64x128xf32, #tpu.memory_space<vmem>>, vector<1x16xf32>,
      %get3A_756 = vector.shape_cast %get3A_755 : vector<1x16xf32> to vector<16xf32>
      %add3A_757 = arith.constant 0 : i32
      %add3A_758 = arith.addi %add3A_757, %scan3A_684 : i32
      %swap3A_759 = arith.index_cast %add3A_758 : i32 to index
      %swap3A_760 = arith.constant 32 : index
      %swap3A_761 = tpu.vector_load %arg7[%swap3A_759, %swap3A_760] {strides = array<i32>} : memref<256x128xf32, #tpu.memory_space<vmem>>, vector<1x16xf32>,
      %swap3A_762 = vector.shape_cast %swap3A_761 : vector<1x16xf32> to vector<16xf32>
      %swap3A_763 = vector.shape_cast %get3A_756 : vector<16xf32> to vector<1x16xf32>
      tpu.vector_store %arg7[%swap3A_759, %swap3A_760], %swap3A_763 {add = true, strides = array<i32>} : memref<256x128xf32, #tpu.memory_space<vmem>>, vector<1x16xf32>,
      %add3A_764 = arith.constant 64 : i32
      %add3A_765 = arith.addi %add3A_764, %scan3A_684 : i32
      %swap3A_766 = arith.index_cast %add3A_765 : i32 to index
      %swap3A_767 = arith.constant 32 : index
      %swap3A_768 = tpu.vector_load %arg7[%swap3A_766, %swap3A_767] {strides = array<i32>} : memref<256x128xf32, #tpu.memory_space<vmem>>, vector<1x16xf32>,
      %swap3A_769 = vector.shape_cast %swap3A_768 : vector<1x16xf32> to vector<16xf32>
      %swap3A_770 = vector.shape_cast %get3A_756 : vector<16xf32> to vector<1x16xf32>
      tpu.vector_store %arg7[%swap3A_766, %swap3A_767], %swap3A_770 {add = true, strides = array<i32>} : memref<256x128xf32, #tpu.memory_space<vmem>>, vector<1x16xf32>,
      %add3A_771 = arith.constant 128 : i32
      %add3A_772 = arith.addi %add3A_771, %scan3A_684 : i32
      %swap3A_773 = arith.index_cast %add3A_772 : i32 to index
      %swap3A_774 = arith.constant 32 : index
      %swap3A_775 = tpu.vector_load %arg7[%swap3A_773, %swap3A_774] {strides = array<i32>} : memref<256x128xf32, #tpu.memory_space<vmem>>, vector<1x16xf32>,
      %swap3A_776 = vector.shape_cast %swap3A_775 : vector<1x16xf32> to vector<16xf32>
      %swap3A_777 = vector.shape_cast %get3A_756 : vector<16xf32> to vector<1x16xf32>
      tpu.vector_store %arg7[%swap3A_773, %swap3A_774], %swap3A_777 {add = true, strides = array<i32>} : memref<256x128xf32, #tpu.memory_space<vmem>>, vector<1x16xf32>,
      %add3A_778 = arith.constant 192 : i32
      %add3A_779 = arith.addi %add3A_778, %scan3A_684 : i32
      %swap3A_780 = arith.index_cast %add3A_779 : i32 to index
      %swap3A_781 = arith.constant 32 : index
      %swap3A_782 = tpu.vector_load %arg7[%swap3A_780, %swap3A_781] {strides = array<i32>} : memref<256x128xf32, #tpu.memory_space<vmem>>, vector<1x16xf32>,
      %swap3A_783 = vector.shape_cast %swap3A_782 : vector<1x16xf32> to vector<16xf32>
      %swap3A_784 = vector.shape_cast %get3A_756 : vector<16xf32> to vector<1x16xf32>
      tpu.vector_store %arg7[%swap3A_780, %swap3A_781], %swap3A_784 {add = true, strides = array<i32>} : memref<256x128xf32, #tpu.memory_space<vmem>>, vector<1x16xf32>,
      %add3A_785 = arith.constant 0 : i32
      %add3A_786 = arith.addi %add3A_785, %scan3A_684 : i32
      %get3A_787 = arith.index_cast %add3A_786 : i32 to index
      %get3A_788 = arith.constant 48 : index
      %get3A_789 = tpu.vector_load %arg8[%get3A_787, %get3A_788] {strides = array<i32>} : memref<64x128xf32, #tpu.memory_space<vmem>>, vector<1x16xf32>,
      %get3A_790 = vector.shape_cast %get3A_789 : vector<1x16xf32> to vector<16xf32>
      %add3A_791 = arith.constant 0 : i32
      %add3A_792 = arith.addi %add3A_791, %scan3A_684 : i32
      %swap3A_793 = arith.index_cast %add3A_792 : i32 to index
      %swap3A_794 = arith.constant 48 : index
      %swap3A_795 = tpu.vector_load %arg7[%swap3A_793, %swap3A_794] {strides = array<i32>} : memref<256x128xf32, #tpu.memory_space<vmem>>, vector<1x16xf32>,
      %swap3A_796 = vector.shape_cast %swap3A_795 : vector<1x16xf32> to vector<16xf32>
      %swap3A_797 = vector.shape_cast %get3A_790 : vector<16xf32> to vector<1x16xf32>
      tpu.vector_store %arg7[%swap3A_793, %swap3A_794], %swap3A_797 {add = true, strides = array<i32>} : memref<256x128xf32, #tpu.memory_space<vmem>>, vector<1x16xf32>,
      %add3A_798 = arith.constant 64 : i32
      %add3A_799 = arith.addi %add3A_798, %scan3A_684 : i32
      %swap3A_800 = arith.index_cast %add3A_799 : i32 to index
      %swap3A_801 = arith.constant 48 : index
      %swap3A_802 = tpu.vector_load %arg7[%swap3A_800, %swap3A_801] {strides = array<i32>} : memref<256x128xf32, #tpu.memory_space<vmem>>, vector<1x16xf32>,
      %swap3A_803 = vector.shape_cast %swap3A_802 : vector<1x16xf32> to vector<16xf32>
      %swap3A_804 = vector.shape_cast %get3A_790 : vector<16xf32> to vector<1x16xf32>
      tpu.vector_store %arg7[%swap3A_800, %swap3A_801], %swap3A_804 {add = true, strides = array<i32>} : memref<256x128xf32, #tpu.memory_space<vmem>>, vector<1x16xf32>,
      %add3A_805 = arith.constant 128 : i32
      %add3A_806 = arith.addi %add3A_805, %scan3A_684 : i32
      %swap3A_807 = arith.index_cast %add3A_806 : i32 to index
      %swap3A_808 = arith.constant 48 : index
      %swap3A_809 = tpu.vector_load %arg7[%swap3A_807, %swap3A_808] {strides = array<i32>} : memref<256x128xf32, #tpu.memory_space<vmem>>, vector<1x16xf32>,
      %swap3A_810 = vector.shape_cast %swap3A_809 : vector<1x16xf32> to vector<16xf32>
      %swap3A_811 = vector.shape_cast %get3A_790 : vector<16xf32> to vector<1x16xf32>
      tpu.vector_store %arg7[%swap3A_807, %swap3A_808], %swap3A_811 {add = true, strides = array<i32>} : memref<256x128xf32, #tpu.memory_space<vmem>>, vector<1x16xf32>,
      %add3A_812 = arith.constant 192 : i32
      %add3A_813 = arith.addi %add3A_812, %scan3A_684 : i32
      %swap3A_814 = arith.index_cast %add3A_813 : i32 to index
      %swap3A_815 = arith.constant 48 : index
      %swap3A_816 = tpu.vector_load %arg7[%swap3A_814, %swap3A_815] {strides = array<i32>} : memref<256x128xf32, #tpu.memory_space<vmem>>, vector<1x16xf32>,
      %swap3A_817 = vector.shape_cast %swap3A_816 : vector<1x16xf32> to vector<16xf32>
      %swap3A_818 = vector.shape_cast %get3A_790 : vector<16xf32> to vector<1x16xf32>
      tpu.vector_store %arg7[%swap3A_814, %swap3A_815], %swap3A_818 {add = true, strides = array<i32>} : memref<256x128xf32, #tpu.memory_space<vmem>>, vector<1x16xf32>,
      %add3A_819 = arith.constant 0 : i32
      %add3A_820 = arith.addi %add3A_819, %scan3A_684 : i32
      %get3A_821 = arith.index_cast %add3A_820 : i32 to index
      %get3A_822 = arith.constant 64 : index
      %get3A_823 = tpu.vector_load %arg8[%get3A_821, %get3A_822] {strides = array<i32>} : memref<64x128xf32, #tpu.memory_space<vmem>>, vector<1x16xf32>,
      %get3A_824 = vector.shape_cast %get3A_823 : vector<1x16xf32> to vector<16xf32>
      %add3A_825 = arith.constant 0 : i32
      %add3A_826 = arith.addi %add3A_825, %scan3A_684 : i32
      %swap3A_827 = arith.index_cast %add3A_826 : i32 to index
      %swap3A_828 = arith.constant 64 : index
      %swap3A_829 = tpu.vector_load %arg7[%swap3A_827, %swap3A_828] {strides = array<i32>} : memref<256x128xf32, #tpu.memory_space<vmem>>, vector<1x16xf32>,
      %swap3A_830 = vector.shape_cast %swap3A_829 : vector<1x16xf32> to vector<16xf32>
      %swap3A_831 = vector.shape_cast %get3A_824 : vector<16xf32> to vector<1x16xf32>
      tpu.vector_store %arg7[%swap3A_827, %swap3A_828], %swap3A_831 {add = true, strides = array<i32>} : memref<256x128xf32, #tpu.memory_space<vmem>>, vector<1x16xf32>,
      %add3A_832 = arith.constant 64 : i32
      %add3A_833 = arith.addi %add3A_832, %scan3A_684 : i32
      %swap3A_834 = arith.index_cast %add3A_833 : i32 to index
      %swap3A_835 = arith.constant 64 : index
      %swap3A_836 = tpu.vector_load %arg7[%swap3A_834, %swap3A_835] {strides = array<i32>} : memref<256x128xf32, #tpu.memory_space<vmem>>, vector<1x16xf32>,
      %swap3A_837 = vector.shape_cast %swap3A_836 : vector<1x16xf32> to vector<16xf32>
      %swap3A_838 = vector.shape_cast %get3A_824 : vector<16xf32> to vector<1x16xf32>
      tpu.vector_store %arg7[%swap3A_834, %swap3A_835], %swap3A_838 {add = true, strides = array<i32>} : memref<256x128xf32, #tpu.memory_space<vmem>>, vector<1x16xf32>,
      %add3A_839 = arith.constant 128 : i32
      %add3A_840 = arith.addi %add3A_839, %scan3A_684 : i32
      %swap3A_841 = arith.index_cast %add3A_840 : i32 to index
      %swap3A_842 = arith.constant 64 : index
      %swap3A_843 = tpu.vector_load %arg7[%swap3A_841, %swap3A_842] {strides = array<i32>} : memref<256x128xf32, #tpu.memory_space<vmem>>, vector<1x16xf32>,
      %swap3A_844 = vector.shape_cast %swap3A_843 : vector<1x16xf32> to vector<16xf32>
      %swap3A_845 = vector.shape_cast %get3A_824 : vector<16xf32> to vector<1x16xf32>
      tpu.vector_store %arg7[%swap3A_841, %swap3A_842], %swap3A_845 {add = true, strides = array<i32>} : memref<256x128xf32, #tpu.memory_space<vmem>>, vector<1x16xf32>,
      %add3A_846 = arith.constant 192 : i32
      %add3A_847 = arith.addi %add3A_846, %scan3A_684 : i32
      %swap3A_848 = arith.index_cast %add3A_847 : i32 to index
      %swap3A_849 = arith.constant 64 : index
      %swap3A_850 = tpu.vector_load %arg7[%swap3A_848, %swap3A_849] {strides = array<i32>} : memref<256x128xf32, #tpu.memory_space<vmem>>, vector<1x16xf32>,
      %swap3A_851 = vector.shape_cast %swap3A_850 : vector<1x16xf32> to vector<16xf32>
      %swap3A_852 = vector.shape_cast %get3A_824 : vector<16xf32> to vector<1x16xf32>
      tpu.vector_store %arg7[%swap3A_848, %swap3A_849], %swap3A_852 {add = true, strides = array<i32>} : memref<256x128xf32, #tpu.memory_space<vmem>>, vector<1x16xf32>,
      %add3A_853 = arith.constant 0 : i32
      %add3A_854 = arith.addi %add3A_853, %scan3A_684 : i32
      %get3A_855 = arith.index_cast %add3A_854 : i32 to index
      %get3A_856 = arith.constant 80 : index
      %get3A_857 = tpu.vector_load %arg8[%get3A_855, %get3A_856] {strides = array<i32>} : memref<64x128xf32, #tpu.memory_space<vmem>>, vector<1x16xf32>,
      %get3A_858 = vector.shape_cast %get3A_857 : vector<1x16xf32> to vector<16xf32>
      %add3A_859 = arith.constant 0 : i32
      %add3A_860 = arith.addi %add3A_859, %scan3A_684 : i32
      %swap3A_861 = arith.index_cast %add3A_860 : i32 to index
      %swap3A_862 = arith.constant 80 : index
      %swap3A_863 = tpu.vector_load %arg7[%swap3A_861, %swap3A_862] {strides = array<i32>} : memref<256x128xf32, #tpu.memory_space<vmem>>, vector<1x16xf32>,
      %swap3A_864 = vector.shape_cast %swap3A_863 : vector<1x16xf32> to vector<16xf32>
      %swap3A_865 = vector.shape_cast %get3A_858 : vector<16xf32> to vector<1x16xf32>
      tpu.vector_store %arg7[%swap3A_861, %swap3A_862], %swap3A_865 {add = true, strides = array<i32>} : memref<256x128xf32, #tpu.memory_space<vmem>>, vector<1x16xf32>,
      %add3A_866 = arith.constant 64 : i32
      %add3A_867 = arith.addi %add3A_866, %scan3A_684 : i32
      %swap3A_868 = arith.index_cast %add3A_867 : i32 to index
      %swap3A_869 = arith.constant 80 : index
      %swap3A_870 = tpu.vector_load %arg7[%swap3A_868, %swap3A_869] {strides = array<i32>} : memref<256x128xf32, #tpu.memory_space<vmem>>, vector<1x16xf32>,
      %swap3A_871 = vector.shape_cast %swap3A_870 : vector<1x16xf32> to vector<16xf32>
      %swap3A_872 = vector.shape_cast %get3A_858 : vector<16xf32> to vector<1x16xf32>
      tpu.vector_store %arg7[%swap3A_868, %swap3A_869], %swap3A_872 {add = true, strides = array<i32>} : memref<256x128xf32, #tpu.memory_space<vmem>>, vector<1x16xf32>,
      %add3A_873 = arith.constant 128 : i32
      %add3A_874 = arith.addi %add3A_873, %scan3A_684 : i32
      %swap3A_875 = arith.index_cast %add3A_874 : i32 to index
      %swap3A_876 = arith.constant 80 : index
      %swap3A_877 = tpu.vector_load %arg7[%swap3A_875, %swap3A_876] {strides = array<i32>} : memref<256x128xf32, #tpu.memory_space<vmem>>, vector<1x16xf32>,
      %swap3A_878 = vector.shape_cast %swap3A_877 : vector<1x16xf32> to vector<16xf32>
      %swap3A_879 = vector.shape_cast %get3A_858 : vector<16xf32> to vector<1x16xf32>
      tpu.vector_store %arg7[%swap3A_875, %swap3A_876], %swap3A_879 {add = true, strides = array<i32>} : memref<256x128xf32, #tpu.memory_space<vmem>>, vector<1x16xf32>,
      %add3A_880 = arith.constant 192 : i32
      %add3A_881 = arith.addi %add3A_880, %scan3A_684 : i32
      %swap3A_882 = arith.index_cast %add3A_881 : i32 to index
      %swap3A_883 = arith.constant 80 : index
      %swap3A_884 = tpu.vector_load %arg7[%swap3A_882, %swap3A_883] {strides = array<i32>} : memref<256x128xf32, #tpu.memory_space<vmem>>, vector<1x16xf32>,
      %swap3A_885 = vector.shape_cast %swap3A_884 : vector<1x16xf32> to vector<16xf32>
      %swap3A_886 = vector.shape_cast %get3A_858 : vector<16xf32> to vector<1x16xf32>
      tpu.vector_store %arg7[%swap3A_882, %swap3A_883], %swap3A_886 {add = true, strides = array<i32>} : memref<256x128xf32, #tpu.memory_space<vmem>>, vector<1x16xf32>,
      %add3A_887 = arith.constant 0 : i32
      %add3A_888 = arith.addi %add3A_887, %scan3A_684 : i32
      %get3A_889 = arith.index_cast %add3A_888 : i32 to index
      %get3A_890 = arith.constant 96 : index
      %get3A_891 = tpu.vector_load %arg8[%get3A_889, %get3A_890] {strides = array<i32>} : memref<64x128xf32, #tpu.memory_space<vmem>>, vector<1x16xf32>,
      %get3A_892 = vector.shape_cast %get3A_891 : vector<1x16xf32> to vector<16xf32>
      %add3A_893 = arith.constant 0 : i32
      %add3A_894 = arith.addi %add3A_893, %scan3A_684 : i32
      %swap3A_895 = arith.index_cast %add3A_894 : i32 to index
      %swap3A_896 = arith.constant 96 : index
      %swap3A_897 = tpu.vector_load %arg7[%swap3A_895, %swap3A_896] {strides = array<i32>} : memref<256x128xf32, #tpu.memory_space<vmem>>, vector<1x16xf32>,
      %swap3A_898 = vector.shape_cast %swap3A_897 : vector<1x16xf32> to vector<16xf32>
      %swap3A_899 = vector.shape_cast %get3A_892 : vector<16xf32> to vector<1x16xf32>
      tpu.vector_store %arg7[%swap3A_895, %swap3A_896], %swap3A_899 {add = true, strides = array<i32>} : memref<256x128xf32, #tpu.memory_space<vmem>>, vector<1x16xf32>,
      %add3A_900 = arith.constant 64 : i32
      %add3A_901 = arith.addi %add3A_900, %scan3A_684 : i32
      %swap3A_902 = arith.index_cast %add3A_901 : i32 to index
      %swap3A_903 = arith.constant 96 : index
      %swap3A_904 = tpu.vector_load %arg7[%swap3A_902, %swap3A_903] {strides = array<i32>} : memref<256x128xf32, #tpu.memory_space<vmem>>, vector<1x16xf32>,
      %swap3A_905 = vector.shape_cast %swap3A_904 : vector<1x16xf32> to vector<16xf32>
      %swap3A_906 = vector.shape_cast %get3A_892 : vector<16xf32> to vector<1x16xf32>
      tpu.vector_store %arg7[%swap3A_902, %swap3A_903], %swap3A_906 {add = true, strides = array<i32>} : memref<256x128xf32, #tpu.memory_space<vmem>>, vector<1x16xf32>,
      %add3A_907 = arith.constant 128 : i32
      %add3A_908 = arith.addi %add3A_907, %scan3A_684 : i32
      %swap3A_909 = arith.index_cast %add3A_908 : i32 to index
      %swap3A_910 = arith.constant 96 : index
      %swap3A_911 = tpu.vector_load %arg7[%swap3A_909, %swap3A_910] {strides = array<i32>} : memref<256x128xf32, #tpu.memory_space<vmem>>, vector<1x16xf32>,
      %swap3A_912 = vector.shape_cast %swap3A_911 : vector<1x16xf32> to vector<16xf32>
      %swap3A_913 = vector.shape_cast %get3A_892 : vector<16xf32> to vector<1x16xf32>
      tpu.vector_store %arg7[%swap3A_909, %swap3A_910], %swap3A_913 {add = true, strides = array<i32>} : memref<256x128xf32, #tpu.memory_space<vmem>>, vector<1x16xf32>,
      %add3A_914 = arith.constant 192 : i32
      %add3A_915 = arith.addi %add3A_914, %scan3A_684 : i32
      %swap3A_916 = arith.index_cast %add3A_915 : i32 to index
      %swap3A_917 = arith.constant 96 : index
      %swap3A_918 = tpu.vector_load %arg7[%swap3A_916, %swap3A_917] {strides = array<i32>} : memref<256x128xf32, #tpu.memory_space<vmem>>, vector<1x16xf32>,
      %swap3A_919 = vector.shape_cast %swap3A_918 : vector<1x16xf32> to vector<16xf32>
      %swap3A_920 = vector.shape_cast %get3A_892 : vector<16xf32> to vector<1x16xf32>
      tpu.vector_store %arg7[%swap3A_916, %swap3A_917], %swap3A_920 {add = true, strides = array<i32>} : memref<256x128xf32, #tpu.memory_space<vmem>>, vector<1x16xf32>,
      %add3A_921 = arith.constant 0 : i32
      %add3A_922 = arith.addi %add3A_921, %scan3A_684 : i32
      %get3A_923 = arith.index_cast %add3A_922 : i32 to index
      %get3A_924 = arith.constant 112 : index
      %get3A_925 = tpu.vector_load %arg8[%get3A_923, %get3A_924] {strides = array<i32>} : memref<64x128xf32, #tpu.memory_space<vmem>>, vector<1x16xf32>,
      %get3A_926 = vector.shape_cast %get3A_925 : vector<1x16xf32> to vector<16xf32>
      %add3A_927 = arith.constant 0 : i32
      %add3A_928 = arith.addi %add3A_927, %scan3A_684 : i32
      %swap3A_929 = arith.index_cast %add3A_928 : i32 to index
      %swap3A_930 = arith.constant 112 : index
      %swap3A_931 = tpu.vector_load %arg7[%swap3A_929, %swap3A_930] {strides = array<i32>} : memref<256x128xf32, #tpu.memory_space<vmem>>, vector<1x16xf32>,
      %swap3A_932 = vector.shape_cast %swap3A_931 : vector<1x16xf32> to vector<16xf32>
      %swap3A_933 = vector.shape_cast %get3A_926 : vector<16xf32> to vector<1x16xf32>
      tpu.vector_store %arg7[%swap3A_929, %swap3A_930], %swap3A_933 {add = true, strides = array<i32>} : memref<256x128xf32, #tpu.memory_space<vmem>>, vector<1x16xf32>,
      %add3A_934 = arith.constant 64 : i32
      %add3A_935 = arith.addi %add3A_934, %scan3A_684 : i32
      %swap3A_936 = arith.index_cast %add3A_935 : i32 to index
      %swap3A_937 = arith.constant 112 : index
      %swap3A_938 = tpu.vector_load %arg7[%swap3A_936, %swap3A_937] {strides = array<i32>} : memref<256x128xf32, #tpu.memory_space<vmem>>, vector<1x16xf32>,
      %swap3A_939 = vector.shape_cast %swap3A_938 : vector<1x16xf32> to vector<16xf32>
      %swap3A_940 = vector.shape_cast %get3A_926 : vector<16xf32> to vector<1x16xf32>
      tpu.vector_store %arg7[%swap3A_936, %swap3A_937], %swap3A_940 {add = true, strides = array<i32>} : memref<256x128xf32, #tpu.memory_space<vmem>>, vector<1x16xf32>,
      %add3A_941 = arith.constant 128 : i32
      %add3A_942 = arith.addi %add3A_941, %scan3A_684 : i32
      %swap3A_943 = arith.index_cast %add3A_942 : i32 to index
      %swap3A_944 = arith.constant 112 : index
      %swap3A_945 = tpu.vector_load %arg7[%swap3A_943, %swap3A_944] {strides = array<i32>} : memref<256x128xf32, #tpu.memory_space<vmem>>, vector<1x16xf32>,
      %swap3A_946 = vector.shape_cast %swap3A_945 : vector<1x16xf32> to vector<16xf32>
      %swap3A_947 = vector.shape_cast %get3A_926 : vector<16xf32> to vector<1x16xf32>
      tpu.vector_store %arg7[%swap3A_943, %swap3A_944], %swap3A_947 {add = true, strides = array<i32>} : memref<256x128xf32, #tpu.memory_space<vmem>>, vector<1x16xf32>,
      %add3A_948 = arith.constant 192 : i32
      %add3A_949 = arith.addi %add3A_948, %scan3A_684 : i32
      %swap3A_950 = arith.index_cast %add3A_949 : i32 to index
      %swap3A_951 = arith.constant 112 : index
      %swap3A_952 = tpu.vector_load %arg7[%swap3A_950, %swap3A_951] {strides = array<i32>} : memref<256x128xf32, #tpu.memory_space<vmem>>, vector<1x16xf32>,
      %swap3A_953 = vector.shape_cast %swap3A_952 : vector<1x16xf32> to vector<16xf32>
      %swap3A_954 = vector.shape_cast %get3A_926 : vector<16xf32> to vector<1x16xf32>
      tpu.vector_store %arg7[%swap3A_950, %swap3A_951], %swap3A_954 {add = true, strides = array<i32>} : memref<256x128xf32, #tpu.memory_space<vmem>>, vector<1x16xf32>,
    }
    %scan3A_293 = arith.constant 8 : i32
    %add3A_294 = arith.constant 0 : i32
    %add3A_295 = arith.addi %add3A_294, %mul3A_2 : i32
    %add3A_296 = arith.constant 0 : i32
    %add3A_297 = arith.addi %add3A_295, %add3A_296 : i32
    %dma_start3A_298 = arith.constant 0 : i32
    %dma_start3A_299 = arith.constant 0 : i32
    %dma_start3A_300 = tpu.memref_slice %arg7[%dma_start3A_298, %dma_start3A_299] : memref<256x128xf32, #tpu.memory_space<vmem>> -> memref<8x128xf32, #tpu.memory_space<vmem>>
    %dma_start3A_301 = arith.constant 0 : i32
    %dma_start3A_302 = tpu.memref_slice %arg5[%add3A_297, %dma_start3A_301] : memref<8192x128xf32, #tpu.memory_space<hbm>> -> memref<8x128xf32, #tpu.memory_space<hbm>>
    %dma_start3A_303 = arith.constant 0 : i32
    %dma_start3A_304 = tpu.memref_slice %arg5[%add3A_297, %dma_start3A_303] : memref<8192x128xf32, #tpu.memory_space<hbm>> -> memref<8x128xf32, #tpu.memory_space<hbm>>
    %dma_start3A_305 = arith.constant 0 : i32
    %dma_start3A_306 = arith.constant 0 : i32
    %dma_start3A_307 = tpu.memref_slice %arg7[%dma_start3A_305, %dma_start3A_306] : memref<256x128xf32, #tpu.memory_space<vmem>> -> memref<8x128xf32, #tpu.memory_space<vmem>>
    tpu.enqueue_dma source(%dma_start3A_307 : memref<8x128xf32, #tpu.memory_space<vmem>>) target(%dma_start3A_304 : memref<8x128xf32, #tpu.memory_space<hbm>>) target_semaphore(%arg18 : memref<!tpu.dma_semaphore, #tpu.memory_space<semaphore_mem>>)
    %add3A_308 = arith.constant 2048 : i32
    %add3A_309 = arith.addi %add3A_308, %mul3A_2 : i32
    %add3A_310 = arith.constant 0 : i32
    %add3A_311 = arith.addi %add3A_309, %add3A_310 : i32
    %dma_start3A_312 = arith.constant 64 : i32
    %dma_start3A_313 = arith.constant 0 : i32
    %dma_start3A_314 = tpu.memref_slice %arg7[%dma_start3A_312, %dma_start3A_313] : memref<256x128xf32, #tpu.memory_space<vmem>> -> memref<8x128xf32, #tpu.memory_space<vmem>>
    %dma_start3A_315 = arith.constant 0 : i32
    %dma_start3A_316 = tpu.memref_slice %arg5[%add3A_311, %dma_start3A_315] : memref<8192x128xf32, #tpu.memory_space<hbm>> -> memref<8x128xf32, #tpu.memory_space<hbm>>
    %dma_start3A_317 = arith.constant 0 : i32
    %dma_start3A_318 = tpu.memref_slice %arg5[%add3A_311, %dma_start3A_317] : memref<8192x128xf32, #tpu.memory_space<hbm>> -> memref<8x128xf32, #tpu.memory_space<hbm>>
    %dma_start3A_319 = arith.constant 64 : i32
    %dma_start3A_320 = arith.constant 0 : i32
    %dma_start3A_321 = tpu.memref_slice %arg7[%dma_start3A_319, %dma_start3A_320] : memref<256x128xf32, #tpu.memory_space<vmem>> -> memref<8x128xf32, #tpu.memory_space<vmem>>
    tpu.enqueue_dma source(%dma_start3A_321 : memref<8x128xf32, #tpu.memory_space<vmem>>) target(%dma_start3A_318 : memref<8x128xf32, #tpu.memory_space<hbm>>) target_semaphore(%arg18 : memref<!tpu.dma_semaphore, #tpu.memory_space<semaphore_mem>>)
    %add3A_322 = arith.constant 4096 : i32
    %add3A_323 = arith.addi %add3A_322, %mul3A_2 : i32
    %add3A_324 = arith.constant 0 : i32
    %add3A_325 = arith.addi %add3A_323, %add3A_324 : i32
    %dma_start3A_326 = arith.constant 128 : i32
    %dma_start3A_327 = arith.constant 0 : i32
    %dma_start3A_328 = tpu.memref_slice %arg7[%dma_start3A_326, %dma_start3A_327] : memref<256x128xf32, #tpu.memory_space<vmem>> -> memref<8x128xf32, #tpu.memory_space<vmem>>
    %dma_start3A_329 = arith.constant 0 : i32
    %dma_start3A_330 = tpu.memref_slice %arg5[%add3A_325, %dma_start3A_329] : memref<8192x128xf32, #tpu.memory_space<hbm>> -> memref<8x128xf32, #tpu.memory_space<hbm>>
    %dma_start3A_331 = arith.constant 0 : i32
    %dma_start3A_332 = tpu.memref_slice %arg5[%add3A_325, %dma_start3A_331] : memref<8192x128xf32, #tpu.memory_space<hbm>> -> memref<8x128xf32, #tpu.memory_space<hbm>>
    %dma_start3A_333 = arith.constant 128 : i32
    %dma_start3A_334 = arith.constant 0 : i32
    %dma_start3A_335 = tpu.memref_slice %arg7[%dma_start3A_333, %dma_start3A_334] : memref<256x128xf32, #tpu.memory_space<vmem>> -> memref<8x128xf32, #tpu.memory_space<vmem>>
    tpu.enqueue_dma source(%dma_start3A_335 : memref<8x128xf32, #tpu.memory_space<vmem>>) target(%dma_start3A_332 : memref<8x128xf32, #tpu.memory_space<hbm>>) target_semaphore(%arg18 : memref<!tpu.dma_semaphore, #tpu.memory_space<semaphore_mem>>)
    %add3A_336 = arith.constant 6144 : i32
    %add3A_337 = arith.addi %add3A_336, %mul3A_2 : i32
    %add3A_338 = arith.constant 0 : i32
    %add3A_339 = arith.addi %add3A_337, %add3A_338 : i32
    %dma_start3A_340 = arith.constant 192 : i32
    %dma_start3A_341 = arith.constant 0 : i32
    %dma_start3A_342 = tpu.memref_slice %arg7[%dma_start3A_340, %dma_start3A_341] : memref<256x128xf32, #tpu.memory_space<vmem>> -> memref<8x128xf32, #tpu.memory_space<vmem>>
    %dma_start3A_343 = arith.constant 0 : i32
    %dma_start3A_344 = tpu.memref_slice %arg5[%add3A_339, %dma_start3A_343] : memref<8192x128xf32, #tpu.memory_space<hbm>> -> memref<8x128xf32, #tpu.memory_space<hbm>>
    %dma_start3A_345 = arith.constant 0 : i32
    %dma_start3A_346 = tpu.memref_slice %arg5[%add3A_339, %dma_start3A_345] : memref<8192x128xf32, #tpu.memory_space<hbm>> -> memref<8x128xf32, #tpu.memory_space<hbm>>
    %dma_start3A_347 = arith.constant 192 : i32
    %dma_start3A_348 = arith.constant 0 : i32
    %dma_start3A_349 = tpu.memref_slice %arg7[%dma_start3A_347, %dma_start3A_348] : memref<256x128xf32, #tpu.memory_space<vmem>> -> memref<8x128xf32, #tpu.memory_space<vmem>>
    tpu.enqueue_dma source(%dma_start3A_349 : memref<8x128xf32, #tpu.memory_space<vmem>>) target(%dma_start3A_346 : memref<8x128xf32, #tpu.memory_space<hbm>>) target_semaphore(%arg18 : memref<!tpu.dma_semaphore, #tpu.memory_space<semaphore_mem>>)
    %dma_wait3A_350 = arith.constant 8 : i32
    %dma_wait3A_351 = arith.constant 0 : i32
    %dma_wait3A_352 = tpu.memref_slice %arg8[%dma_wait3A_350, %dma_wait3A_351] : memref<64x128xf32, #tpu.memory_space<vmem>> -> memref<56x128xf32, #tpu.memory_space<vmem>>
    %dma_wait3A_353 = arith.constant 0 : i32
    %dma_wait3A_354 = tpu.memref_slice %arg4[%add3A_61, %dma_wait3A_353] : memref<2048x128xf32, #tpu.memory_space<hbm>> -> memref<56x128xf32, #tpu.memory_space<hbm>>
    %dma_wait3A_355 = arith.constant 8 : i32
    %dma_wait3A_356 = arith.constant 0 : i32
    %dma_wait3A_357 = tpu.memref_slice %arg8[%dma_wait3A_355, %dma_wait3A_356] : memref<64x128xf32, #tpu.memory_space<vmem>> -> memref<56x128xf32, #tpu.memory_space<vmem>>
    %dma_wait3A_358 = arith.constant 0 : i32
    %dma_wait3A_359 = tpu.memref_slice %arg4[%add3A_61, %dma_wait3A_358] : memref<2048x128xf32, #tpu.memory_space<hbm>> -> memref<56x128xf32, #tpu.memory_space<hbm>>
    tpu.wait_dma2 semaphore(%arg17 : memref<!tpu.dma_semaphore, #tpu.memory_space<semaphore_mem>>) src(%dma_wait3A_359 : memref<56x128xf32, #tpu.memory_space<hbm>>) dst(%dma_wait3A_357 : memref<56x128xf32, #tpu.memory_space<vmem>>)
    %dma_wait3A_360 = arith.constant 0 : i32
    %dma_wait3A_361 = arith.constant 8 : i32
    %dma_wait3A_362 = arith.constant 0 : i32
    %dma_wait3A_363 = tpu.memref_slice %arg7[%dma_wait3A_361, %dma_wait3A_362] : memref<256x128xf32, #tpu.memory_space<vmem>> -> memref<24x128xf32, #tpu.memory_space<vmem>>
    %dma_wait3A_364 = arith.constant 8 : i32
    %dma_wait3A_365 = tpu.memref_slice %arg6[%dma_wait3A_360, %dma_wait3A_364] : memref<4x64xi32, #tpu.memory_space<vmem>> -> memref<1x24xi32, #tpu.memory_space<vmem>>
    %dma_wait3A_366 = tpu.memref_squeeze %dma_wait3A_365 : memref<1x24xi32, #tpu.memory_space<vmem>> -> memref<24xi32, #tpu.memory_space<vmem>>
    %dma_wait3A_367 = arith.constant 0 : i32
    %dma_wait3A_368 = arith.constant 0 : i32
    %dma_wait3A_369 = tpu.memref_slice %arg3[%dma_wait3A_367, %dma_wait3A_368] : memref<100000x128xf32, #tpu.memory_space<hbm>> -> memref<100000x128xf32, #tpu.memory_space<hbm>>
    tpu.wait_indirect_dma semaphore(%arg10 : memref<!tpu.dma_semaphore, #tpu.memory_space<semaphore_mem>>) src(%dma_wait3A_369 : memref<100000x128xf32, #tpu.memory_space<hbm>>) dst(%dma_wait3A_363 : memref<24x128xf32, #tpu.memory_space<vmem>>)
    %dma_wait3A_370 = arith.constant 1 : i32
    %dma_wait3A_371 = arith.constant 72 : i32
    %dma_wait3A_372 = arith.constant 0 : i32
    %dma_wait3A_373 = tpu.memref_slice %arg7[%dma_wait3A_371, %dma_wait3A_372] : memref<256x128xf32, #tpu.memory_space<vmem>> -> memref<24x128xf32, #tpu.memory_space<vmem>>
    %dma_wait3A_374 = arith.constant 8 : i32
    %dma_wait3A_375 = tpu.memref_slice %arg6[%dma_wait3A_370, %dma_wait3A_374] : memref<4x64xi32, #tpu.memory_space<vmem>> -> memref<1x24xi32, #tpu.memory_space<vmem>>
    %dma_wait3A_376 = tpu.memref_squeeze %dma_wait3A_375 : memref<1x24xi32, #tpu.memory_space<vmem>> -> memref<24xi32, #tpu.memory_space<vmem>>
    %dma_wait3A_377 = arith.constant 0 : i32
    %dma_wait3A_378 = arith.constant 0 : i32
    %dma_wait3A_379 = tpu.memref_slice %arg3[%dma_wait3A_377, %dma_wait3A_378] : memref<100000x128xf32, #tpu.memory_space<hbm>> -> memref<100000x128xf32, #tpu.memory_space<hbm>>
    tpu.wait_indirect_dma semaphore(%arg10 : memref<!tpu.dma_semaphore, #tpu.memory_space<semaphore_mem>>) src(%dma_wait3A_379 : memref<100000x128xf32, #tpu.memory_space<hbm>>) dst(%dma_wait3A_373 : memref<24x128xf32, #tpu.memory_space<vmem>>)
    %dma_wait3A_380 = arith.constant 2 : i32
    %dma_wait3A_381 = arith.constant 136 : i32
    %dma_wait3A_382 = arith.constant 0 : i32
    %dma_wait3A_383 = tpu.memref_slice %arg7[%dma_wait3A_381, %dma_wait3A_382] : memref<256x128xf32, #tpu.memory_space<vmem>> -> memref<24x128xf32, #tpu.memory_space<vmem>>
    %dma_wait3A_384 = arith.constant 8 : i32
    %dma_wait3A_385 = tpu.memref_slice %arg6[%dma_wait3A_380, %dma_wait3A_384] : memref<4x64xi32, #tpu.memory_space<vmem>> -> memref<1x24xi32, #tpu.memory_space<vmem>>
    %dma_wait3A_386 = tpu.memref_squeeze %dma_wait3A_385 : memref<1x24xi32, #tpu.memory_space<vmem>> -> memref<24xi32, #tpu.memory_space<vmem>>
    %dma_wait3A_387 = arith.constant 0 : i32
    %dma_wait3A_388 = arith.constant 0 : i32
    %dma_wait3A_389 = tpu.memref_slice %arg3[%dma_wait3A_387, %dma_wait3A_388] : memref<100000x128xf32, #tpu.memory_space<hbm>> -> memref<100000x128xf32, #tpu.memory_space<hbm>>
    tpu.wait_indirect_dma semaphore(%arg10 : memref<!tpu.dma_semaphore, #tpu.memory_space<semaphore_mem>>) src(%dma_wait3A_389 : memref<100000x128xf32, #tpu.memory_space<hbm>>) dst(%dma_wait3A_383 : memref<24x128xf32, #tpu.memory_space<vmem>>)
    %dma_wait3A_390 = arith.constant 3 : i32
    %dma_wait3A_391 = arith.constant 200 : i32
    %dma_wait3A_392 = arith.constant 0 : i32
    %dma_wait3A_393 = tpu.memref_slice %arg7[%dma_wait3A_391, %dma_wait3A_392] : memref<256x128xf32, #tpu.memory_space<vmem>> -> memref<24x128xf32, #tpu.memory_space<vmem>>
    %dma_wait3A_394 = arith.constant 8 : i32
    %dma_wait3A_395 = tpu.memref_slice %arg6[%dma_wait3A_390, %dma_wait3A_394] : memref<4x64xi32, #tpu.memory_space<vmem>> -> memref<1x24xi32, #tpu.memory_space<vmem>>
    %dma_wait3A_396 = tpu.memref_squeeze %dma_wait3A_395 : memref<1x24xi32, #tpu.memory_space<vmem>> -> memref<24xi32, #tpu.memory_space<vmem>>
    %dma_wait3A_397 = arith.constant 0 : i32
    %dma_wait3A_398 = arith.constant 0 : i32
    %dma_wait3A_399 = tpu.memref_slice %arg3[%dma_wait3A_397, %dma_wait3A_398] : memref<100000x128xf32, #tpu.memory_space<hbm>> -> memref<100000x128xf32, #tpu.memory_space<hbm>>
    tpu.wait_indirect_dma semaphore(%arg10 : memref<!tpu.dma_semaphore, #tpu.memory_space<semaphore_mem>>) src(%dma_wait3A_399 : memref<100000x128xf32, #tpu.memory_space<hbm>>) dst(%dma_wait3A_393 : memref<24x128xf32, #tpu.memory_space<vmem>>)
    %scan3A_400 = arith.constant 0 : i32
    %scan3A_401 = arith.constant 0 : i32
    %scan3A_402 = arith.constant 24 : i32
    %scan3A_403 = arith.addi %scan3A_401, %scan3A_402 : i32
    %scan3A_404 = arith.constant 1 : i32
    scf.for %scan3A_684 = %scan3A_401 to %scan3A_403 step %scan3A_404  : i32 {
      %add3A_685 = arith.constant 8 : i32
      %add3A_686 = arith.addi %add3A_685, %scan3A_684 : i32
      %get3A = arith.index_cast %add3A_686 : i32 to index
      %get3A_687 = arith.constant 0 : index
      %get3A_688 = tpu.vector_load %arg8[%get3A, %get3A_687] {strides = array<i32>} : memref<64x128xf32, #tpu.memory_space<vmem>>, vector<1x16xf32>,
      %get3A_689 = vector.shape_cast %get3A_688 : vector<1x16xf32> to vector<16xf32>
      %add3A_690 = arith.constant 8 : i32
      %add3A_691 = arith.addi %add3A_690, %scan3A_684 : i32
      %swap3A = arith.index_cast %add3A_691 : i32 to index
      %swap3A_692 = arith.constant 0 : index
      %swap3A_693 = tpu.vector_load %arg7[%swap3A, %swap3A_692] {strides = array<i32>} : memref<256x128xf32, #tpu.memory_space<vmem>>, vector<1x16xf32>,
      %swap3A_694 = vector.shape_cast %swap3A_693 : vector<1x16xf32> to vector<16xf32>
      %swap3A_695 = vector.shape_cast %get3A_689 : vector<16xf32> to vector<1x16xf32>
      tpu.vector_store %arg7[%swap3A, %swap3A_692], %swap3A_695 {add = true, strides = array<i32>} : memref<256x128xf32, #tpu.memory_space<vmem>>, vector<1x16xf32>,
      %add3A_696 = arith.constant 72 : i32
      %add3A_697 = arith.addi %add3A_696, %scan3A_684 : i32
      %swap3A_698 = arith.index_cast %add3A_697 : i32 to index
      %swap3A_699 = arith.constant 0 : index
      %swap3A_700 = tpu.vector_load %arg7[%swap3A_698, %swap3A_699] {strides = array<i32>} : memref<256x128xf32, #tpu.memory_space<vmem>>, vector<1x16xf32>,
      %swap3A_701 = vector.shape_cast %swap3A_700 : vector<1x16xf32> to vector<16xf32>
      %swap3A_702 = vector.shape_cast %get3A_689 : vector<16xf32> to vector<1x16xf32>
      tpu.vector_store %arg7[%swap3A_698, %swap3A_699], %swap3A_702 {add = true, strides = array<i32>} : memref<256x128xf32, #tpu.memory_space<vmem>>, vector<1x16xf32>,
      %add3A_703 = arith.constant 136 : i32
      %add3A_704 = arith.addi %add3A_703, %scan3A_684 : i32
      %swap3A_705 = arith.index_cast %add3A_704 : i32 to index
      %swap3A_706 = arith.constant 0 : index
      %swap3A_707 = tpu.vector_load %arg7[%swap3A_705, %swap3A_706] {strides = array<i32>} : memref<256x128xf32, #tpu.memory_space<vmem>>, vector<1x16xf32>,
      %swap3A_708 = vector.shape_cast %swap3A_707 : vector<1x16xf32> to vector<16xf32>
      %swap3A_709 = vector.shape_cast %get3A_689 : vector<16xf32> to vector<1x16xf32>
      tpu.vector_store %arg7[%swap3A_705, %swap3A_706], %swap3A_709 {add = true, strides = array<i32>} : memref<256x128xf32, #tpu.memory_space<vmem>>, vector<1x16xf32>,
      %add3A_710 = arith.constant 200 : i32
      %add3A_711 = arith.addi %add3A_710, %scan3A_684 : i32
      %swap3A_712 = arith.index_cast %add3A_711 : i32 to index
      %swap3A_713 = arith.constant 0 : index
      %swap3A_714 = tpu.vector_load %arg7[%swap3A_712, %swap3A_713] {strides = array<i32>} : memref<256x128xf32, #tpu.memory_space<vmem>>, vector<1x16xf32>,
      %swap3A_715 = vector.shape_cast %swap3A_714 : vector<1x16xf32> to vector<16xf32>
      %swap3A_716 = vector.shape_cast %get3A_689 : vector<16xf32> to vector<1x16xf32>
      tpu.vector_store %arg7[%swap3A_712, %swap3A_713], %swap3A_716 {add = true, strides = array<i32>} : memref<256x128xf32, #tpu.memory_space<vmem>>, vector<1x16xf32>,
      %add3A_717 = arith.constant 8 : i32
      %add3A_718 = arith.addi %add3A_717, %scan3A_684 : i32
      %get3A_719 = arith.index_cast %add3A_718 : i32 to index
      %get3A_720 = arith.constant 16 : index
      %get3A_721 = tpu.vector_load %arg8[%get3A_719, %get3A_720] {strides = array<i32>} : memref<64x128xf32, #tpu.memory_space<vmem>>, vector<1x16xf32>,
      %get3A_722 = vector.shape_cast %get3A_721 : vector<1x16xf32> to vector<16xf32>
      %add3A_723 = arith.constant 8 : i32
      %add3A_724 = arith.addi %add3A_723, %scan3A_684 : i32
      %swap3A_725 = arith.index_cast %add3A_724 : i32 to index
      %swap3A_726 = arith.constant 16 : index
      %swap3A_727 = tpu.vector_load %arg7[%swap3A_725, %swap3A_726] {strides = array<i32>} : memref<256x128xf32, #tpu.memory_space<vmem>>, vector<1x16xf32>,
      %swap3A_728 = vector.shape_cast %swap3A_727 : vector<1x16xf32> to vector<16xf32>
      %swap3A_729 = vector.shape_cast %get3A_722 : vector<16xf32> to vector<1x16xf32>
      tpu.vector_store %arg7[%swap3A_725, %swap3A_726], %swap3A_729 {add = true, strides = array<i32>} : memref<256x128xf32, #tpu.memory_space<vmem>>, vector<1x16xf32>,
      %add3A_730 = arith.constant 72 : i32
      %add3A_731 = arith.addi %add3A_730, %scan3A_684 : i32
      %swap3A_732 = arith.index_cast %add3A_731 : i32 to index
      %swap3A_733 = arith.constant 16 : index
      %swap3A_734 = tpu.vector_load %arg7[%swap3A_732, %swap3A_733] {strides = array<i32>} : memref<256x128xf32, #tpu.memory_space<vmem>>, vector<1x16xf32>,
      %swap3A_735 = vector.shape_cast %swap3A_734 : vector<1x16xf32> to vector<16xf32>
      %swap3A_736 = vector.shape_cast %get3A_722 : vector<16xf32> to vector<1x16xf32>
      tpu.vector_store %arg7[%swap3A_732, %swap3A_733], %swap3A_736 {add = true, strides = array<i32>} : memref<256x128xf32, #tpu.memory_space<vmem>>, vector<1x16xf32>,
      %add3A_737 = arith.constant 136 : i32
      %add3A_738 = arith.addi %add3A_737, %scan3A_684 : i32
      %swap3A_739 = arith.index_cast %add3A_738 : i32 to index
      %swap3A_740 = arith.constant 16 : index
      %swap3A_741 = tpu.vector_load %arg7[%swap3A_739, %swap3A_740] {strides = array<i32>} : memref<256x128xf32, #tpu.memory_space<vmem>>, vector<1x16xf32>,
      %swap3A_742 = vector.shape_cast %swap3A_741 : vector<1x16xf32> to vector<16xf32>
      %swap3A_743 = vector.shape_cast %get3A_722 : vector<16xf32> to vector<1x16xf32>
      tpu.vector_store %arg7[%swap3A_739, %swap3A_740], %swap3A_743 {add = true, strides = array<i32>} : memref<256x128xf32, #tpu.memory_space<vmem>>, vector<1x16xf32>,
      %add3A_744 = arith.constant 200 : i32
      %add3A_745 = arith.addi %add3A_744, %scan3A_684 : i32
      %swap3A_746 = arith.index_cast %add3A_745 : i32 to index
      %swap3A_747 = arith.constant 16 : index
      %swap3A_748 = tpu.vector_load %arg7[%swap3A_746, %swap3A_747] {strides = array<i32>} : memref<256x128xf32, #tpu.memory_space<vmem>>, vector<1x16xf32>,
      %swap3A_749 = vector.shape_cast %swap3A_748 : vector<1x16xf32> to vector<16xf32>
      %swap3A_750 = vector.shape_cast %get3A_722 : vector<16xf32> to vector<1x16xf32>
      tpu.vector_store %arg7[%swap3A_746, %swap3A_747], %swap3A_750 {add = true, strides = array<i32>} : memref<256x128xf32, #tpu.memory_space<vmem>>, vector<1x16xf32>,
      %add3A_751 = arith.constant 8 : i32
      %add3A_752 = arith.addi %add3A_751, %scan3A_684 : i32
      %get3A_753 = arith.index_cast %add3A_752 : i32 to index
      %get3A_754 = arith.constant 32 : index
      %get3A_755 = tpu.vector_load %arg8[%get3A_753, %get3A_754] {strides = array<i32>} : memref<64x128xf32, #tpu.memory_space<vmem>>, vector<1x16xf32>,
      %get3A_756 = vector.shape_cast %get3A_755 : vector<1x16xf32> to vector<16xf32>
      %add3A_757 = arith.constant 8 : i32
      %add3A_758 = arith.addi %add3A_757, %scan3A_684 : i32
      %swap3A_759 = arith.index_cast %add3A_758 : i32 to index
      %swap3A_760 = arith.constant 32 : index
      %swap3A_761 = tpu.vector_load %arg7[%swap3A_759, %swap3A_760] {strides = array<i32>} : memref<256x128xf32, #tpu.memory_space<vmem>>, vector<1x16xf32>,
      %swap3A_762 = vector.shape_cast %swap3A_761 : vector<1x16xf32> to vector<16xf32>
      %swap3A_763 = vector.shape_cast %get3A_756 : vector<16xf32> to vector<1x16xf32>
      tpu.vector_store %arg7[%swap3A_759, %swap3A_760], %swap3A_763 {add = true, strides = array<i32>} : memref<256x128xf32, #tpu.memory_space<vmem>>, vector<1x16xf32>,
      %add3A_764 = arith.constant 72 : i32
      %add3A_765 = arith.addi %add3A_764, %scan3A_684 : i32
      %swap3A_766 = arith.index_cast %add3A_765 : i32 to index
      %swap3A_767 = arith.constant 32 : index
      %swap3A_768 = tpu.vector_load %arg7[%swap3A_766, %swap3A_767] {strides = array<i32>} : memref<256x128xf32, #tpu.memory_space<vmem>>, vector<1x16xf32>,
      %swap3A_769 = vector.shape_cast %swap3A_768 : vector<1x16xf32> to vector<16xf32>
      %swap3A_770 = vector.shape_cast %get3A_756 : vector<16xf32> to vector<1x16xf32>
      tpu.vector_store %arg7[%swap3A_766, %swap3A_767], %swap3A_770 {add = true, strides = array<i32>} : memref<256x128xf32, #tpu.memory_space<vmem>>, vector<1x16xf32>,
      %add3A_771 = arith.constant 136 : i32
      %add3A_772 = arith.addi %add3A_771, %scan3A_684 : i32
      %swap3A_773 = arith.index_cast %add3A_772 : i32 to index
      %swap3A_774 = arith.constant 32 : index
      %swap3A_775 = tpu.vector_load %arg7[%swap3A_773, %swap3A_774] {strides = array<i32>} : memref<256x128xf32, #tpu.memory_space<vmem>>, vector<1x16xf32>,
      %swap3A_776 = vector.shape_cast %swap3A_775 : vector<1x16xf32> to vector<16xf32>
      %swap3A_777 = vector.shape_cast %get3A_756 : vector<16xf32> to vector<1x16xf32>
      tpu.vector_store %arg7[%swap3A_773, %swap3A_774], %swap3A_777 {add = true, strides = array<i32>} : memref<256x128xf32, #tpu.memory_space<vmem>>, vector<1x16xf32>,
      %add3A_778 = arith.constant 200 : i32
      %add3A_779 = arith.addi %add3A_778, %scan3A_684 : i32
      %swap3A_780 = arith.index_cast %add3A_779 : i32 to index
      %swap3A_781 = arith.constant 32 : index
      %swap3A_782 = tpu.vector_load %arg7[%swap3A_780, %swap3A_781] {strides = array<i32>} : memref<256x128xf32, #tpu.memory_space<vmem>>, vector<1x16xf32>,
      %swap3A_783 = vector.shape_cast %swap3A_782 : vector<1x16xf32> to vector<16xf32>
      %swap3A_784 = vector.shape_cast %get3A_756 : vector<16xf32> to vector<1x16xf32>
      tpu.vector_store %arg7[%swap3A_780, %swap3A_781], %swap3A_784 {add = true, strides = array<i32>} : memref<256x128xf32, #tpu.memory_space<vmem>>, vector<1x16xf32>,
      %add3A_785 = arith.constant 8 : i32
      %add3A_786 = arith.addi %add3A_785, %scan3A_684 : i32
      %get3A_787 = arith.index_cast %add3A_786 : i32 to index
      %get3A_788 = arith.constant 48 : index
      %get3A_789 = tpu.vector_load %arg8[%get3A_787, %get3A_788] {strides = array<i32>} : memref<64x128xf32, #tpu.memory_space<vmem>>, vector<1x16xf32>,
      %get3A_790 = vector.shape_cast %get3A_789 : vector<1x16xf32> to vector<16xf32>
      %add3A_791 = arith.constant 8 : i32
      %add3A_792 = arith.addi %add3A_791, %scan3A_684 : i32
      %swap3A_793 = arith.index_cast %add3A_792 : i32 to index
      %swap3A_794 = arith.constant 48 : index
      %swap3A_795 = tpu.vector_load %arg7[%swap3A_793, %swap3A_794] {strides = array<i32>} : memref<256x128xf32, #tpu.memory_space<vmem>>, vector<1x16xf32>,
      %swap3A_796 = vector.shape_cast %swap3A_795 : vector<1x16xf32> to vector<16xf32>
      %swap3A_797 = vector.shape_cast %get3A_790 : vector<16xf32> to vector<1x16xf32>
      tpu.vector_store %arg7[%swap3A_793, %swap3A_794], %swap3A_797 {add = true, strides = array<i32>} : memref<256x128xf32, #tpu.memory_space<vmem>>, vector<1x16xf32>,
      %add3A_798 = arith.constant 72 : i32
      %add3A_799 = arith.addi %add3A_798, %scan3A_684 : i32
      %swap3A_800 = arith.index_cast %add3A_799 : i32 to index
      %swap3A_801 = arith.constant 48 : index
      %swap3A_802 = tpu.vector_load %arg7[%swap3A_800, %swap3A_801] {strides = array<i32>} : memref<256x128xf32, #tpu.memory_space<vmem>>, vector<1x16xf32>,
      %swap3A_803 = vector.shape_cast %swap3A_802 : vector<1x16xf32> to vector<16xf32>
      %swap3A_804 = vector.shape_cast %get3A_790 : vector<16xf32> to vector<1x16xf32>
      tpu.vector_store %arg7[%swap3A_800, %swap3A_801], %swap3A_804 {add = true, strides = array<i32>} : memref<256x128xf32, #tpu.memory_space<vmem>>, vector<1x16xf32>,
      %add3A_805 = arith.constant 136 : i32
      %add3A_806 = arith.addi %add3A_805, %scan3A_684 : i32
      %swap3A_807 = arith.index_cast %add3A_806 : i32 to index
      %swap3A_808 = arith.constant 48 : index
      %swap3A_809 = tpu.vector_load %arg7[%swap3A_807, %swap3A_808] {strides = array<i32>} : memref<256x128xf32, #tpu.memory_space<vmem>>, vector<1x16xf32>,
      %swap3A_810 = vector.shape_cast %swap3A_809 : vector<1x16xf32> to vector<16xf32>
      %swap3A_811 = vector.shape_cast %get3A_790 : vector<16xf32> to vector<1x16xf32>
      tpu.vector_store %arg7[%swap3A_807, %swap3A_808], %swap3A_811 {add = true, strides = array<i32>} : memref<256x128xf32, #tpu.memory_space<vmem>>, vector<1x16xf32>,
      %add3A_812 = arith.constant 200 : i32
      %add3A_813 = arith.addi %add3A_812, %scan3A_684 : i32
      %swap3A_814 = arith.index_cast %add3A_813 : i32 to index
      %swap3A_815 = arith.constant 48 : index
      %swap3A_816 = tpu.vector_load %arg7[%swap3A_814, %swap3A_815] {strides = array<i32>} : memref<256x128xf32, #tpu.memory_space<vmem>>, vector<1x16xf32>,
      %swap3A_817 = vector.shape_cast %swap3A_816 : vector<1x16xf32> to vector<16xf32>
      %swap3A_818 = vector.shape_cast %get3A_790 : vector<16xf32> to vector<1x16xf32>
      tpu.vector_store %arg7[%swap3A_814, %swap3A_815], %swap3A_818 {add = true, strides = array<i32>} : memref<256x128xf32, #tpu.memory_space<vmem>>, vector<1x16xf32>,
      %add3A_819 = arith.constant 8 : i32
      %add3A_820 = arith.addi %add3A_819, %scan3A_684 : i32
      %get3A_821 = arith.index_cast %add3A_820 : i32 to index
      %get3A_822 = arith.constant 64 : index
      %get3A_823 = tpu.vector_load %arg8[%get3A_821, %get3A_822] {strides = array<i32>} : memref<64x128xf32, #tpu.memory_space<vmem>>, vector<1x16xf32>,
      %get3A_824 = vector.shape_cast %get3A_823 : vector<1x16xf32> to vector<16xf32>
      %add3A_825 = arith.constant 8 : i32
      %add3A_826 = arith.addi %add3A_825, %scan3A_684 : i32
      %swap3A_827 = arith.index_cast %add3A_826 : i32 to index
      %swap3A_828 = arith.constant 64 : index
      %swap3A_829 = tpu.vector_load %arg7[%swap3A_827, %swap3A_828] {strides = array<i32>} : memref<256x128xf32, #tpu.memory_space<vmem>>, vector<1x16xf32>,
      %swap3A_830 = vector.shape_cast %swap3A_829 : vector<1x16xf32> to vector<16xf32>
      %swap3A_831 = vector.shape_cast %get3A_824 : vector<16xf32> to vector<1x16xf32>
      tpu.vector_store %arg7[%swap3A_827, %swap3A_828], %swap3A_831 {add = true, strides = array<i32>} : memref<256x128xf32, #tpu.memory_space<vmem>>, vector<1x16xf32>,
      %add3A_832 = arith.constant 72 : i32
      %add3A_833 = arith.addi %add3A_832, %scan3A_684 : i32
      %swap3A_834 = arith.index_cast %add3A_833 : i32 to index
      %swap3A_835 = arith.constant 64 : index
      %swap3A_836 = tpu.vector_load %arg7[%swap3A_834, %swap3A_835] {strides = array<i32>} : memref<256x128xf32, #tpu.memory_space<vmem>>, vector<1x16xf32>,
      %swap3A_837 = vector.shape_cast %swap3A_836 : vector<1x16xf32> to vector<16xf32>
      %swap3A_838 = vector.shape_cast %get3A_824 : vector<16xf32> to vector<1x16xf32>
      tpu.vector_store %arg7[%swap3A_834, %swap3A_835], %swap3A_838 {add = true, strides = array<i32>} : memref<256x128xf32, #tpu.memory_space<vmem>>, vector<1x16xf32>,
      %add3A_839 = arith.constant 136 : i32
      %add3A_840 = arith.addi %add3A_839, %scan3A_684 : i32
      %swap3A_841 = arith.index_cast %add3A_840 : i32 to index
      %swap3A_842 = arith.constant 64 : index
      %swap3A_843 = tpu.vector_load %arg7[%swap3A_841, %swap3A_842] {strides = array<i32>} : memref<256x128xf32, #tpu.memory_space<vmem>>, vector<1x16xf32>,
      %swap3A_844 = vector.shape_cast %swap3A_843 : vector<1x16xf32> to vector<16xf32>
      %swap3A_845 = vector.shape_cast %get3A_824 : vector<16xf32> to vector<1x16xf32>
      tpu.vector_store %arg7[%swap3A_841, %swap3A_842], %swap3A_845 {add = true, strides = array<i32>} : memref<256x128xf32, #tpu.memory_space<vmem>>, vector<1x16xf32>,
      %add3A_846 = arith.constant 200 : i32
      %add3A_847 = arith.addi %add3A_846, %scan3A_684 : i32
      %swap3A_848 = arith.index_cast %add3A_847 : i32 to index
      %swap3A_849 = arith.constant 64 : index
      %swap3A_850 = tpu.vector_load %arg7[%swap3A_848, %swap3A_849] {strides = array<i32>} : memref<256x128xf32, #tpu.memory_space<vmem>>, vector<1x16xf32>,
      %swap3A_851 = vector.shape_cast %swap3A_850 : vector<1x16xf32> to vector<16xf32>
      %swap3A_852 = vector.shape_cast %get3A_824 : vector<16xf32> to vector<1x16xf32>
      tpu.vector_store %arg7[%swap3A_848, %swap3A_849], %swap3A_852 {add = true, strides = array<i32>} : memref<256x128xf32, #tpu.memory_space<vmem>>, vector<1x16xf32>,
      %add3A_853 = arith.constant 8 : i32
      %add3A_854 = arith.addi %add3A_853, %scan3A_684 : i32
      %get3A_855 = arith.index_cast %add3A_854 : i32 to index
      %get3A_856 = arith.constant 80 : index
      %get3A_857 = tpu.vector_load %arg8[%get3A_855, %get3A_856] {strides = array<i32>} : memref<64x128xf32, #tpu.memory_space<vmem>>, vector<1x16xf32>,
      %get3A_858 = vector.shape_cast %get3A_857 : vector<1x16xf32> to vector<16xf32>
      %add3A_859 = arith.constant 8 : i32
      %add3A_860 = arith.addi %add3A_859, %scan3A_684 : i32
      %swap3A_861 = arith.index_cast %add3A_860 : i32 to index
      %swap3A_862 = arith.constant 80 : index
      %swap3A_863 = tpu.vector_load %arg7[%swap3A_861, %swap3A_862] {strides = array<i32>} : memref<256x128xf32, #tpu.memory_space<vmem>>, vector<1x16xf32>,
      %swap3A_864 = vector.shape_cast %swap3A_863 : vector<1x16xf32> to vector<16xf32>
      %swap3A_865 = vector.shape_cast %get3A_858 : vector<16xf32> to vector<1x16xf32>
      tpu.vector_store %arg7[%swap3A_861, %swap3A_862], %swap3A_865 {add = true, strides = array<i32>} : memref<256x128xf32, #tpu.memory_space<vmem>>, vector<1x16xf32>,
      %add3A_866 = arith.constant 72 : i32
      %add3A_867 = arith.addi %add3A_866, %scan3A_684 : i32
      %swap3A_868 = arith.index_cast %add3A_867 : i32 to index
      %swap3A_869 = arith.constant 80 : index
      %swap3A_870 = tpu.vector_load %arg7[%swap3A_868, %swap3A_869] {strides = array<i32>} : memref<256x128xf32, #tpu.memory_space<vmem>>, vector<1x16xf32>,
      %swap3A_871 = vector.shape_cast %swap3A_870 : vector<1x16xf32> to vector<16xf32>
      %swap3A_872 = vector.shape_cast %get3A_858 : vector<16xf32> to vector<1x16xf32>
      tpu.vector_store %arg7[%swap3A_868, %swap3A_869], %swap3A_872 {add = true, strides = array<i32>} : memref<256x128xf32, #tpu.memory_space<vmem>>, vector<1x16xf32>,
      %add3A_873 = arith.constant 136 : i32
      %add3A_874 = arith.addi %add3A_873, %scan3A_684 : i32
      %swap3A_875 = arith.index_cast %add3A_874 : i32 to index
      %swap3A_876 = arith.constant 80 : index
      %swap3A_877 = tpu.vector_load %arg7[%swap3A_875, %swap3A_876] {strides = array<i32>} : memref<256x128xf32, #tpu.memory_space<vmem>>, vector<1x16xf32>,
      %swap3A_878 = vector.shape_cast %swap3A_877 : vector<1x16xf32> to vector<16xf32>
      %swap3A_879 = vector.shape_cast %get3A_858 : vector<16xf32> to vector<1x16xf32>
      tpu.vector_store %arg7[%swap3A_875, %swap3A_876], %swap3A_879 {add = true, strides = array<i32>} : memref<256x128xf32, #tpu.memory_space<vmem>>, vector<1x16xf32>,
      %add3A_880 = arith.constant 200 : i32
      %add3A_881 = arith.addi %add3A_880, %scan3A_684 : i32
      %swap3A_882 = arith.index_cast %add3A_881 : i32 to index
      %swap3A_883 = arith.constant 80 : index
      %swap3A_884 = tpu.vector_load %arg7[%swap3A_882, %swap3A_883] {strides = array<i32>} : memref<256x128xf32, #tpu.memory_space<vmem>>, vector<1x16xf32>,
      %swap3A_885 = vector.shape_cast %swap3A_884 : vector<1x16xf32> to vector<16xf32>
      %swap3A_886 = vector.shape_cast %get3A_858 : vector<16xf32> to vector<1x16xf32>
      tpu.vector_store %arg7[%swap3A_882, %swap3A_883], %swap3A_886 {add = true, strides = array<i32>} : memref<256x128xf32, #tpu.memory_space<vmem>>, vector<1x16xf32>,
      %add3A_887 = arith.constant 8 : i32
      %add3A_888 = arith.addi %add3A_887, %scan3A_684 : i32
      %get3A_889 = arith.index_cast %add3A_888 : i32 to index
      %get3A_890 = arith.constant 96 : index
      %get3A_891 = tpu.vector_load %arg8[%get3A_889, %get3A_890] {strides = array<i32>} : memref<64x128xf32, #tpu.memory_space<vmem>>, vector<1x16xf32>,
      %get3A_892 = vector.shape_cast %get3A_891 : vector<1x16xf32> to vector<16xf32>
      %add3A_893 = arith.constant 8 : i32
      %add3A_894 = arith.addi %add3A_893, %scan3A_684 : i32
      %swap3A_895 = arith.index_cast %add3A_894 : i32 to index
      %swap3A_896 = arith.constant 96 : index
      %swap3A_897 = tpu.vector_load %arg7[%swap3A_895, %swap3A_896] {strides = array<i32>} : memref<256x128xf32, #tpu.memory_space<vmem>>, vector<1x16xf32>,
      %swap3A_898 = vector.shape_cast %swap3A_897 : vector<1x16xf32> to vector<16xf32>
      %swap3A_899 = vector.shape_cast %get3A_892 : vector<16xf32> to vector<1x16xf32>
      tpu.vector_store %arg7[%swap3A_895, %swap3A_896], %swap3A_899 {add = true, strides = array<i32>} : memref<256x128xf32, #tpu.memory_space<vmem>>, vector<1x16xf32>,
      %add3A_900 = arith.constant 72 : i32
      %add3A_901 = arith.addi %add3A_900, %scan3A_684 : i32
      %swap3A_902 = arith.index_cast %add3A_901 : i32 to index
      %swap3A_903 = arith.constant 96 : index
      %swap3A_904 = tpu.vector_load %arg7[%swap3A_902, %swap3A_903] {strides = array<i32>} : memref<256x128xf32, #tpu.memory_space<vmem>>, vector<1x16xf32>,
      %swap3A_905 = vector.shape_cast %swap3A_904 : vector<1x16xf32> to vector<16xf32>
      %swap3A_906 = vector.shape_cast %get3A_892 : vector<16xf32> to vector<1x16xf32>
      tpu.vector_store %arg7[%swap3A_902, %swap3A_903], %swap3A_906 {add = true, strides = array<i32>} : memref<256x128xf32, #tpu.memory_space<vmem>>, vector<1x16xf32>,
      %add3A_907 = arith.constant 136 : i32
      %add3A_908 = arith.addi %add3A_907, %scan3A_684 : i32
      %swap3A_909 = arith.index_cast %add3A_908 : i32 to index
      %swap3A_910 = arith.constant 96 : index
      %swap3A_911 = tpu.vector_load %arg7[%swap3A_909, %swap3A_910] {strides = array<i32>} : memref<256x128xf32, #tpu.memory_space<vmem>>, vector<1x16xf32>,
      %swap3A_912 = vector.shape_cast %swap3A_911 : vector<1x16xf32> to vector<16xf32>
      %swap3A_913 = vector.shape_cast %get3A_892 : vector<16xf32> to vector<1x16xf32>
      tpu.vector_store %arg7[%swap3A_909, %swap3A_910], %swap3A_913 {add = true, strides = array<i32>} : memref<256x128xf32, #tpu.memory_space<vmem>>, vector<1x16xf32>,
      %add3A_914 = arith.constant 200 : i32
      %add3A_915 = arith.addi %add3A_914, %scan3A_684 : i32
      %swap3A_916 = arith.index_cast %add3A_915 : i32 to index
      %swap3A_917 = arith.constant 96 : index
      %swap3A_918 = tpu.vector_load %arg7[%swap3A_916, %swap3A_917] {strides = array<i32>} : memref<256x128xf32, #tpu.memory_space<vmem>>, vector<1x16xf32>,
      %swap3A_919 = vector.shape_cast %swap3A_918 : vector<1x16xf32> to vector<16xf32>
      %swap3A_920 = vector.shape_cast %get3A_892 : vector<16xf32> to vector<1x16xf32>
      tpu.vector_store %arg7[%swap3A_916, %swap3A_917], %swap3A_920 {add = true, strides = array<i32>} : memref<256x128xf32, #tpu.memory_space<vmem>>, vector<1x16xf32>,
      %add3A_921 = arith.constant 8 : i32
      %add3A_922 = arith.addi %add3A_921, %scan3A_684 : i32
      %get3A_923 = arith.index_cast %add3A_922 : i32 to index
      %get3A_924 = arith.constant 112 : index
      %get3A_925 = tpu.vector_load %arg8[%get3A_923, %get3A_924] {strides = array<i32>} : memref<64x128xf32, #tpu.memory_space<vmem>>, vector<1x16xf32>,
      %get3A_926 = vector.shape_cast %get3A_925 : vector<1x16xf32> to vector<16xf32>
      %add3A_927 = arith.constant 8 : i32
      %add3A_928 = arith.addi %add3A_927, %scan3A_684 : i32
      %swap3A_929 = arith.index_cast %add3A_928 : i32 to index
      %swap3A_930 = arith.constant 112 : index
      %swap3A_931 = tpu.vector_load %arg7[%swap3A_929, %swap3A_930] {strides = array<i32>} : memref<256x128xf32, #tpu.memory_space<vmem>>, vector<1x16xf32>,
      %swap3A_932 = vector.shape_cast %swap3A_931 : vector<1x16xf32> to vector<16xf32>
      %swap3A_933 = vector.shape_cast %get3A_926 : vector<16xf32> to vector<1x16xf32>
      tpu.vector_store %arg7[%swap3A_929, %swap3A_930], %swap3A_933 {add = true, strides = array<i32>} : memref<256x128xf32, #tpu.memory_space<vmem>>, vector<1x16xf32>,
      %add3A_934 = arith.constant 72 : i32
      %add3A_935 = arith.addi %add3A_934, %scan3A_684 : i32
      %swap3A_936 = arith.index_cast %add3A_935 : i32 to index
      %swap3A_937 = arith.constant 112 : index
      %swap3A_938 = tpu.vector_load %arg7[%swap3A_936, %swap3A_937] {strides = array<i32>} : memref<256x128xf32, #tpu.memory_space<vmem>>, vector<1x16xf32>,
      %swap3A_939 = vector.shape_cast %swap3A_938 : vector<1x16xf32> to vector<16xf32>
      %swap3A_940 = vector.shape_cast %get3A_926 : vector<16xf32> to vector<1x16xf32>
      tpu.vector_store %arg7[%swap3A_936, %swap3A_937], %swap3A_940 {add = true, strides = array<i32>} : memref<256x128xf32, #tpu.memory_space<vmem>>, vector<1x16xf32>,
      %add3A_941 = arith.constant 136 : i32
      %add3A_942 = arith.addi %add3A_941, %scan3A_684 : i32
      %swap3A_943 = arith.index_cast %add3A_942 : i32 to index
      %swap3A_944 = arith.constant 112 : index
      %swap3A_945 = tpu.vector_load %arg7[%swap3A_943, %swap3A_944] {strides = array<i32>} : memref<256x128xf32, #tpu.memory_space<vmem>>, vector<1x16xf32>,
      %swap3A_946 = vector.shape_cast %swap3A_945 : vector<1x16xf32> to vector<16xf32>
      %swap3A_947 = vector.shape_cast %get3A_926 : vector<16xf32> to vector<1x16xf32>
      tpu.vector_store %arg7[%swap3A_943, %swap3A_944], %swap3A_947 {add = true, strides = array<i32>} : memref<256x128xf32, #tpu.memory_space<vmem>>, vector<1x16xf32>,
      %add3A_948 = arith.constant 200 : i32
      %add3A_949 = arith.addi %add3A_948, %scan3A_684 : i32
      %swap3A_950 = arith.index_cast %add3A_949 : i32 to index
      %swap3A_951 = arith.constant 112 : index
      %swap3A_952 = tpu.vector_load %arg7[%swap3A_950, %swap3A_951] {strides = array<i32>} : memref<256x128xf32, #tpu.memory_space<vmem>>, vector<1x16xf32>,
      %swap3A_953 = vector.shape_cast %swap3A_952 : vector<1x16xf32> to vector<16xf32>
      %swap3A_954 = vector.shape_cast %get3A_926 : vector<16xf32> to vector<1x16xf32>
      tpu.vector_store %arg7[%swap3A_950, %swap3A_951], %swap3A_954 {add = true, strides = array<i32>} : memref<256x128xf32, #tpu.memory_space<vmem>>, vector<1x16xf32>,
    }
    %scan3A_405 = arith.constant 24 : i32
    %add3A_406 = arith.constant 0 : i32
    %add3A_407 = arith.addi %add3A_406, %mul3A_2 : i32
    %add3A_408 = arith.constant 8 : i32
    %add3A_409 = arith.addi %add3A_407, %add3A_408 : i32
    %dma_start3A_410 = arith.constant 8 : i32
    %dma_start3A_411 = arith.constant 0 : i32
    %dma_start3A_412 = tpu.memref_slice %arg7[%dma_start3A_410, %dma_start3A_411] : memref<256x128xf32, #tpu.memory_space<vmem>> -> memref<24x128xf32, #tpu.memory_space<vmem>>
    %dma_start3A_413 = arith.constant 0 : i32
    %dma_start3A_414 = tpu.memref_slice %arg5[%add3A_409, %dma_start3A_413] : memref<8192x128xf32, #tpu.memory_space<hbm>> -> memref<24x128xf32, #tpu.memory_space<hbm>>
    %dma_start3A_415 = arith.constant 0 : i32
    %dma_start3A_416 = tpu.memref_slice %arg5[%add3A_409, %dma_start3A_415] : memref<8192x128xf32, #tpu.memory_space<hbm>> -> memref<24x128xf32, #tpu.memory_space<hbm>>
    %dma_start3A_417 = arith.constant 8 : i32
    %dma_start3A_418 = arith.constant 0 : i32
    %dma_start3A_419 = tpu.memref_slice %arg7[%dma_start3A_417, %dma_start3A_418] : memref<256x128xf32, #tpu.memory_space<vmem>> -> memref<24x128xf32, #tpu.memory_space<vmem>>
    tpu.enqueue_dma source(%dma_start3A_419 : memref<24x128xf32, #tpu.memory_space<vmem>>) target(%dma_start3A_416 : memref<24x128xf32, #tpu.memory_space<hbm>>) target_semaphore(%arg18 : memref<!tpu.dma_semaphore, #tpu.memory_space<semaphore_mem>>)
    %add3A_420 = arith.constant 2048 : i32
    %add3A_421 = arith.addi %add3A_420, %mul3A_2 : i32
    %add3A_422 = arith.constant 8 : i32
    %add3A_423 = arith.addi %add3A_421, %add3A_422 : i32
    %dma_start3A_424 = arith.constant 72 : i32
    %dma_start3A_425 = arith.constant 0 : i32
    %dma_start3A_426 = tpu.memref_slice %arg7[%dma_start3A_424, %dma_start3A_425] : memref<256x128xf32, #tpu.memory_space<vmem>> -> memref<24x128xf32, #tpu.memory_space<vmem>>
    %dma_start3A_427 = arith.constant 0 : i32
    %dma_start3A_428 = tpu.memref_slice %arg5[%add3A_423, %dma_start3A_427] : memref<8192x128xf32, #tpu.memory_space<hbm>> -> memref<24x128xf32, #tpu.memory_space<hbm>>
    %dma_start3A_429 = arith.constant 0 : i32
    %dma_start3A_430 = tpu.memref_slice %arg5[%add3A_423, %dma_start3A_429] : memref<8192x128xf32, #tpu.memory_space<hbm>> -> memref<24x128xf32, #tpu.memory_space<hbm>>
    %dma_start3A_431 = arith.constant 72 : i32
    %dma_start3A_432 = arith.constant 0 : i32
    %dma_start3A_433 = tpu.memref_slice %arg7[%dma_start3A_431, %dma_start3A_432] : memref<256x128xf32, #tpu.memory_space<vmem>> -> memref<24x128xf32, #tpu.memory_space<vmem>>
    tpu.enqueue_dma source(%dma_start3A_433 : memref<24x128xf32, #tpu.memory_space<vmem>>) target(%dma_start3A_430 : memref<24x128xf32, #tpu.memory_space<hbm>>) target_semaphore(%arg18 : memref<!tpu.dma_semaphore, #tpu.memory_space<semaphore_mem>>)
    %add3A_434 = arith.constant 4096 : i32
    %add3A_435 = arith.addi %add3A_434, %mul3A_2 : i32
    %add3A_436 = arith.constant 8 : i32
    %add3A_437 = arith.addi %add3A_435, %add3A_436 : i32
    %dma_start3A_438 = arith.constant 136 : i32
    %dma_start3A_439 = arith.constant 0 : i32
    %dma_start3A_440 = tpu.memref_slice %arg7[%dma_start3A_438, %dma_start3A_439] : memref<256x128xf32, #tpu.memory_space<vmem>> -> memref<24x128xf32, #tpu.memory_space<vmem>>
    %dma_start3A_441 = arith.constant 0 : i32
    %dma_start3A_442 = tpu.memref_slice %arg5[%add3A_437, %dma_start3A_441] : memref<8192x128xf32, #tpu.memory_space<hbm>> -> memref<24x128xf32, #tpu.memory_space<hbm>>
    %dma_start3A_443 = arith.constant 0 : i32
    %dma_start3A_444 = tpu.memref_slice %arg5[%add3A_437, %dma_start3A_443] : memref<8192x128xf32, #tpu.memory_space<hbm>> -> memref<24x128xf32, #tpu.memory_space<hbm>>
    %dma_start3A_445 = arith.constant 136 : i32
    %dma_start3A_446 = arith.constant 0 : i32
    %dma_start3A_447 = tpu.memref_slice %arg7[%dma_start3A_445, %dma_start3A_446] : memref<256x128xf32, #tpu.memory_space<vmem>> -> memref<24x128xf32, #tpu.memory_space<vmem>>
    tpu.enqueue_dma source(%dma_start3A_447 : memref<24x128xf32, #tpu.memory_space<vmem>>) target(%dma_start3A_444 : memref<24x128xf32, #tpu.memory_space<hbm>>) target_semaphore(%arg18 : memref<!tpu.dma_semaphore, #tpu.memory_space<semaphore_mem>>)
    %add3A_448 = arith.constant 6144 : i32
    %add3A_449 = arith.addi %add3A_448, %mul3A_2 : i32
    %add3A_450 = arith.constant 8 : i32
    %add3A_451 = arith.addi %add3A_449, %add3A_450 : i32
    %dma_start3A_452 = arith.constant 200 : i32
    %dma_start3A_453 = arith.constant 0 : i32
    %dma_start3A_454 = tpu.memref_slice %arg7[%dma_start3A_452, %dma_start3A_453] : memref<256x128xf32, #tpu.memory_space<vmem>> -> memref<24x128xf32, #tpu.memory_space<vmem>>
    %dma_start3A_455 = arith.constant 0 : i32
    %dma_start3A_456 = tpu.memref_slice %arg5[%add3A_451, %dma_start3A_455] : memref<8192x128xf32, #tpu.memory_space<hbm>> -> memref<24x128xf32, #tpu.memory_space<hbm>>
    %dma_start3A_457 = arith.constant 0 : i32
    %dma_start3A_458 = tpu.memref_slice %arg5[%add3A_451, %dma_start3A_457] : memref<8192x128xf32, #tpu.memory_space<hbm>> -> memref<24x128xf32, #tpu.memory_space<hbm>>
    %dma_start3A_459 = arith.constant 200 : i32
    %dma_start3A_460 = arith.constant 0 : i32
    %dma_start3A_461 = tpu.memref_slice %arg7[%dma_start3A_459, %dma_start3A_460] : memref<256x128xf32, #tpu.memory_space<vmem>> -> memref<24x128xf32, #tpu.memory_space<vmem>>
    tpu.enqueue_dma source(%dma_start3A_461 : memref<24x128xf32, #tpu.memory_space<vmem>>) target(%dma_start3A_458 : memref<24x128xf32, #tpu.memory_space<hbm>>) target_semaphore(%arg18 : memref<!tpu.dma_semaphore, #tpu.memory_space<semaphore_mem>>)
    %dma_wait3A_462 = arith.constant 0 : i32
    %dma_wait3A_463 = arith.constant 32 : i32
    %dma_wait3A_464 = arith.constant 0 : i32
    %dma_wait3A_465 = tpu.memref_slice %arg7[%dma_wait3A_463, %dma_wait3A_464] : memref<256x128xf32, #tpu.memory_space<vmem>> -> memref<32x128xf32, #tpu.memory_space<vmem>>
    %dma_wait3A_466 = arith.constant 32 : i32
    %dma_wait3A_467 = tpu.memref_slice %arg6[%dma_wait3A_462, %dma_wait3A_466] : memref<4x64xi32, #tpu.memory_space<vmem>> -> memref<1x32xi32, #tpu.memory_space<vmem>>
    %dma_wait3A_468 = tpu.memref_squeeze %dma_wait3A_467 : memref<1x32xi32, #tpu.memory_space<vmem>> -> memref<32xi32, #tpu.memory_space<vmem>>
    %dma_wait3A_469 = arith.constant 0 : i32
    %dma_wait3A_470 = arith.constant 0 : i32
    %dma_wait3A_471 = tpu.memref_slice %arg3[%dma_wait3A_469, %dma_wait3A_470] : memref<100000x128xf32, #tpu.memory_space<hbm>> -> memref<100000x128xf32, #tpu.memory_space<hbm>>
    tpu.wait_indirect_dma semaphore(%arg11 : memref<!tpu.dma_semaphore, #tpu.memory_space<semaphore_mem>>) src(%dma_wait3A_471 : memref<100000x128xf32, #tpu.memory_space<hbm>>) dst(%dma_wait3A_465 : memref<32x128xf32, #tpu.memory_space<vmem>>)
    %dma_wait3A_472 = arith.constant 1 : i32
    %dma_wait3A_473 = arith.constant 96 : i32
    %dma_wait3A_474 = arith.constant 0 : i32
    %dma_wait3A_475 = tpu.memref_slice %arg7[%dma_wait3A_473, %dma_wait3A_474] : memref<256x128xf32, #tpu.memory_space<vmem>> -> memref<32x128xf32, #tpu.memory_space<vmem>>
    %dma_wait3A_476 = arith.constant 32 : i32
    %dma_wait3A_477 = tpu.memref_slice %arg6[%dma_wait3A_472, %dma_wait3A_476] : memref<4x64xi32, #tpu.memory_space<vmem>> -> memref<1x32xi32, #tpu.memory_space<vmem>>
    %dma_wait3A_478 = tpu.memref_squeeze %dma_wait3A_477 : memref<1x32xi32, #tpu.memory_space<vmem>> -> memref<32xi32, #tpu.memory_space<vmem>>
    %dma_wait3A_479 = arith.constant 0 : i32
    %dma_wait3A_480 = arith.constant 0 : i32
    %dma_wait3A_481 = tpu.memref_slice %arg3[%dma_wait3A_479, %dma_wait3A_480] : memref<100000x128xf32, #tpu.memory_space<hbm>> -> memref<100000x128xf32, #tpu.memory_space<hbm>>
    tpu.wait_indirect_dma semaphore(%arg11 : memref<!tpu.dma_semaphore, #tpu.memory_space<semaphore_mem>>) src(%dma_wait3A_481 : memref<100000x128xf32, #tpu.memory_space<hbm>>) dst(%dma_wait3A_475 : memref<32x128xf32, #tpu.memory_space<vmem>>)
    %dma_wait3A_482 = arith.constant 2 : i32
    %dma_wait3A_483 = arith.constant 160 : i32
    %dma_wait3A_484 = arith.constant 0 : i32
    %dma_wait3A_485 = tpu.memref_slice %arg7[%dma_wait3A_483, %dma_wait3A_484] : memref<256x128xf32, #tpu.memory_space<vmem>> -> memref<32x128xf32, #tpu.memory_space<vmem>>
    %dma_wait3A_486 = arith.constant 32 : i32
    %dma_wait3A_487 = tpu.memref_slice %arg6[%dma_wait3A_482, %dma_wait3A_486] : memref<4x64xi32, #tpu.memory_space<vmem>> -> memref<1x32xi32, #tpu.memory_space<vmem>>
    %dma_wait3A_488 = tpu.memref_squeeze %dma_wait3A_487 : memref<1x32xi32, #tpu.memory_space<vmem>> -> memref<32xi32, #tpu.memory_space<vmem>>
    %dma_wait3A_489 = arith.constant 0 : i32
    %dma_wait3A_490 = arith.constant 0 : i32
    %dma_wait3A_491 = tpu.memref_slice %arg3[%dma_wait3A_489, %dma_wait3A_490] : memref<100000x128xf32, #tpu.memory_space<hbm>> -> memref<100000x128xf32, #tpu.memory_space<hbm>>
    tpu.wait_indirect_dma semaphore(%arg11 : memref<!tpu.dma_semaphore, #tpu.memory_space<semaphore_mem>>) src(%dma_wait3A_491 : memref<100000x128xf32, #tpu.memory_space<hbm>>) dst(%dma_wait3A_485 : memref<32x128xf32, #tpu.memory_space<vmem>>)
    %dma_wait3A_492 = arith.constant 3 : i32
    %dma_wait3A_493 = arith.constant 224 : i32
    %dma_wait3A_494 = arith.constant 0 : i32
    %dma_wait3A_495 = tpu.memref_slice %arg7[%dma_wait3A_493, %dma_wait3A_494] : memref<256x128xf32, #tpu.memory_space<vmem>> -> memref<32x128xf32, #tpu.memory_space<vmem>>
    %dma_wait3A_496 = arith.constant 32 : i32
    %dma_wait3A_497 = tpu.memref_slice %arg6[%dma_wait3A_492, %dma_wait3A_496] : memref<4x64xi32, #tpu.memory_space<vmem>> -> memref<1x32xi32, #tpu.memory_space<vmem>>
    %dma_wait3A_498 = tpu.memref_squeeze %dma_wait3A_497 : memref<1x32xi32, #tpu.memory_space<vmem>> -> memref<32xi32, #tpu.memory_space<vmem>>
    %dma_wait3A_499 = arith.constant 0 : i32
    %dma_wait3A_500 = arith.constant 0 : i32
    %dma_wait3A_501 = tpu.memref_slice %arg3[%dma_wait3A_499, %dma_wait3A_500] : memref<100000x128xf32, #tpu.memory_space<hbm>> -> memref<100000x128xf32, #tpu.memory_space<hbm>>
    tpu.wait_indirect_dma semaphore(%arg11 : memref<!tpu.dma_semaphore, #tpu.memory_space<semaphore_mem>>) src(%dma_wait3A_501 : memref<100000x128xf32, #tpu.memory_space<hbm>>) dst(%dma_wait3A_495 : memref<32x128xf32, #tpu.memory_space<vmem>>)
    %scan3A_502 = arith.constant 0 : i32
    %scan3A_503 = arith.constant 0 : i32
    %scan3A_504 = arith.constant 32 : i32
    %scan3A_505 = arith.addi %scan3A_503, %scan3A_504 : i32
    %scan3A_506 = arith.constant 1 : i32
    scf.for %scan3A_684 = %scan3A_503 to %scan3A_505 step %scan3A_506  : i32 {
      %add3A_685 = arith.constant 32 : i32
      %add3A_686 = arith.addi %add3A_685, %scan3A_684 : i32
      %get3A = arith.index_cast %add3A_686 : i32 to index
      %get3A_687 = arith.constant 0 : index
      %get3A_688 = tpu.vector_load %arg8[%get3A, %get3A_687] {strides = array<i32>} : memref<64x128xf32, #tpu.memory_space<vmem>>, vector<1x16xf32>,
      %get3A_689 = vector.shape_cast %get3A_688 : vector<1x16xf32> to vector<16xf32>
      %add3A_690 = arith.constant 32 : i32
      %add3A_691 = arith.addi %add3A_690, %scan3A_684 : i32
      %swap3A = arith.index_cast %add3A_691 : i32 to index
      %swap3A_692 = arith.constant 0 : index
      %swap3A_693 = tpu.vector_load %arg7[%swap3A, %swap3A_692] {strides = array<i32>} : memref<256x128xf32, #tpu.memory_space<vmem>>, vector<1x16xf32>,
      %swap3A_694 = vector.shape_cast %swap3A_693 : vector<1x16xf32> to vector<16xf32>
      %swap3A_695 = vector.shape_cast %get3A_689 : vector<16xf32> to vector<1x16xf32>
      tpu.vector_store %arg7[%swap3A, %swap3A_692], %swap3A_695 {add = true, strides = array<i32>} : memref<256x128xf32, #tpu.memory_space<vmem>>, vector<1x16xf32>,
      %add3A_696 = arith.constant 96 : i32
      %add3A_697 = arith.addi %add3A_696, %scan3A_684 : i32
      %swap3A_698 = arith.index_cast %add3A_697 : i32 to index
      %swap3A_699 = arith.constant 0 : index
      %swap3A_700 = tpu.vector_load %arg7[%swap3A_698, %swap3A_699] {strides = array<i32>} : memref<256x128xf32, #tpu.memory_space<vmem>>, vector<1x16xf32>,
      %swap3A_701 = vector.shape_cast %swap3A_700 : vector<1x16xf32> to vector<16xf32>
      %swap3A_702 = vector.shape_cast %get3A_689 : vector<16xf32> to vector<1x16xf32>
      tpu.vector_store %arg7[%swap3A_698, %swap3A_699], %swap3A_702 {add = true, strides = array<i32>} : memref<256x128xf32, #tpu.memory_space<vmem>>, vector<1x16xf32>,
      %add3A_703 = arith.constant 160 : i32
      %add3A_704 = arith.addi %add3A_703, %scan3A_684 : i32
      %swap3A_705 = arith.index_cast %add3A_704 : i32 to index
      %swap3A_706 = arith.constant 0 : index
      %swap3A_707 = tpu.vector_load %arg7[%swap3A_705, %swap3A_706] {strides = array<i32>} : memref<256x128xf32, #tpu.memory_space<vmem>>, vector<1x16xf32>,
      %swap3A_708 = vector.shape_cast %swap3A_707 : vector<1x16xf32> to vector<16xf32>
      %swap3A_709 = vector.shape_cast %get3A_689 : vector<16xf32> to vector<1x16xf32>
      tpu.vector_store %arg7[%swap3A_705, %swap3A_706], %swap3A_709 {add = true, strides = array<i32>} : memref<256x128xf32, #tpu.memory_space<vmem>>, vector<1x16xf32>,
      %add3A_710 = arith.constant 224 : i32
      %add3A_711 = arith.addi %add3A_710, %scan3A_684 : i32
      %swap3A_712 = arith.index_cast %add3A_711 : i32 to index
      %swap3A_713 = arith.constant 0 : index
      %swap3A_714 = tpu.vector_load %arg7[%swap3A_712, %swap3A_713] {strides = array<i32>} : memref<256x128xf32, #tpu.memory_space<vmem>>, vector<1x16xf32>,
      %swap3A_715 = vector.shape_cast %swap3A_714 : vector<1x16xf32> to vector<16xf32>
      %swap3A_716 = vector.shape_cast %get3A_689 : vector<16xf32> to vector<1x16xf32>
      tpu.vector_store %arg7[%swap3A_712, %swap3A_713], %swap3A_716 {add = true, strides = array<i32>} : memref<256x128xf32, #tpu.memory_space<vmem>>, vector<1x16xf32>,
      %add3A_717 = arith.constant 32 : i32
      %add3A_718 = arith.addi %add3A_717, %scan3A_684 : i32
      %get3A_719 = arith.index_cast %add3A_718 : i32 to index
      %get3A_720 = arith.constant 16 : index
      %get3A_721 = tpu.vector_load %arg8[%get3A_719, %get3A_720] {strides = array<i32>} : memref<64x128xf32, #tpu.memory_space<vmem>>, vector<1x16xf32>,
      %get3A_722 = vector.shape_cast %get3A_721 : vector<1x16xf32> to vector<16xf32>
      %add3A_723 = arith.constant 32 : i32
      %add3A_724 = arith.addi %add3A_723, %scan3A_684 : i32
      %swap3A_725 = arith.index_cast %add3A_724 : i32 to index
      %swap3A_726 = arith.constant 16 : index
      %swap3A_727 = tpu.vector_load %arg7[%swap3A_725, %swap3A_726] {strides = array<i32>} : memref<256x128xf32, #tpu.memory_space<vmem>>, vector<1x16xf32>,
      %swap3A_728 = vector.shape_cast %swap3A_727 : vector<1x16xf32> to vector<16xf32>
      %swap3A_729 = vector.shape_cast %get3A_722 : vector<16xf32> to vector<1x16xf32>
      tpu.vector_store %arg7[%swap3A_725, %swap3A_726], %swap3A_729 {add = true, strides = array<i32>} : memref<256x128xf32, #tpu.memory_space<vmem>>, vector<1x16xf32>,
      %add3A_730 = arith.constant 96 : i32
      %add3A_731 = arith.addi %add3A_730, %scan3A_684 : i32
      %swap3A_732 = arith.index_cast %add3A_731 : i32 to index
      %swap3A_733 = arith.constant 16 : index
      %swap3A_734 = tpu.vector_load %arg7[%swap3A_732, %swap3A_733] {strides = array<i32>} : memref<256x128xf32, #tpu.memory_space<vmem>>, vector<1x16xf32>,
      %swap3A_735 = vector.shape_cast %swap3A_734 : vector<1x16xf32> to vector<16xf32>
      %swap3A_736 = vector.shape_cast %get3A_722 : vector<16xf32> to vector<1x16xf32>
      tpu.vector_store %arg7[%swap3A_732, %swap3A_733], %swap3A_736 {add = true, strides = array<i32>} : memref<256x128xf32, #tpu.memory_space<vmem>>, vector<1x16xf32>,
      %add3A_737 = arith.constant 160 : i32
      %add3A_738 = arith.addi %add3A_737, %scan3A_684 : i32
      %swap3A_739 = arith.index_cast %add3A_738 : i32 to index
      %swap3A_740 = arith.constant 16 : index
      %swap3A_741 = tpu.vector_load %arg7[%swap3A_739, %swap3A_740] {strides = array<i32>} : memref<256x128xf32, #tpu.memory_space<vmem>>, vector<1x16xf32>,
      %swap3A_742 = vector.shape_cast %swap3A_741 : vector<1x16xf32> to vector<16xf32>
      %swap3A_743 = vector.shape_cast %get3A_722 : vector<16xf32> to vector<1x16xf32>
      tpu.vector_store %arg7[%swap3A_739, %swap3A_740], %swap3A_743 {add = true, strides = array<i32>} : memref<256x128xf32, #tpu.memory_space<vmem>>, vector<1x16xf32>,
      %add3A_744 = arith.constant 224 : i32
      %add3A_745 = arith.addi %add3A_744, %scan3A_684 : i32
      %swap3A_746 = arith.index_cast %add3A_745 : i32 to index
      %swap3A_747 = arith.constant 16 : index
      %swap3A_748 = tpu.vector_load %arg7[%swap3A_746, %swap3A_747] {strides = array<i32>} : memref<256x128xf32, #tpu.memory_space<vmem>>, vector<1x16xf32>,
      %swap3A_749 = vector.shape_cast %swap3A_748 : vector<1x16xf32> to vector<16xf32>
      %swap3A_750 = vector.shape_cast %get3A_722 : vector<16xf32> to vector<1x16xf32>
      tpu.vector_store %arg7[%swap3A_746, %swap3A_747], %swap3A_750 {add = true, strides = array<i32>} : memref<256x128xf32, #tpu.memory_space<vmem>>, vector<1x16xf32>,
      %add3A_751 = arith.constant 32 : i32
      %add3A_752 = arith.addi %add3A_751, %scan3A_684 : i32
      %get3A_753 = arith.index_cast %add3A_752 : i32 to index
      %get3A_754 = arith.constant 32 : index
      %get3A_755 = tpu.vector_load %arg8[%get3A_753, %get3A_754] {strides = array<i32>} : memref<64x128xf32, #tpu.memory_space<vmem>>, vector<1x16xf32>,
      %get3A_756 = vector.shape_cast %get3A_755 : vector<1x16xf32> to vector<16xf32>
      %add3A_757 = arith.constant 32 : i32
      %add3A_758 = arith.addi %add3A_757, %scan3A_684 : i32
      %swap3A_759 = arith.index_cast %add3A_758 : i32 to index
      %swap3A_760 = arith.constant 32 : index
      %swap3A_761 = tpu.vector_load %arg7[%swap3A_759, %swap3A_760] {strides = array<i32>} : memref<256x128xf32, #tpu.memory_space<vmem>>, vector<1x16xf32>,
      %swap3A_762 = vector.shape_cast %swap3A_761 : vector<1x16xf32> to vector<16xf32>
      %swap3A_763 = vector.shape_cast %get3A_756 : vector<16xf32> to vector<1x16xf32>
      tpu.vector_store %arg7[%swap3A_759, %swap3A_760], %swap3A_763 {add = true, strides = array<i32>} : memref<256x128xf32, #tpu.memory_space<vmem>>, vector<1x16xf32>,
      %add3A_764 = arith.constant 96 : i32
      %add3A_765 = arith.addi %add3A_764, %scan3A_684 : i32
      %swap3A_766 = arith.index_cast %add3A_765 : i32 to index
      %swap3A_767 = arith.constant 32 : index
      %swap3A_768 = tpu.vector_load %arg7[%swap3A_766, %swap3A_767] {strides = array<i32>} : memref<256x128xf32, #tpu.memory_space<vmem>>, vector<1x16xf32>,
      %swap3A_769 = vector.shape_cast %swap3A_768 : vector<1x16xf32> to vector<16xf32>
      %swap3A_770 = vector.shape_cast %get3A_756 : vector<16xf32> to vector<1x16xf32>
      tpu.vector_store %arg7[%swap3A_766, %swap3A_767], %swap3A_770 {add = true, strides = array<i32>} : memref<256x128xf32, #tpu.memory_space<vmem>>, vector<1x16xf32>,
      %add3A_771 = arith.constant 160 : i32
      %add3A_772 = arith.addi %add3A_771, %scan3A_684 : i32
      %swap3A_773 = arith.index_cast %add3A_772 : i32 to index
      %swap3A_774 = arith.constant 32 : index
      %swap3A_775 = tpu.vector_load %arg7[%swap3A_773, %swap3A_774] {strides = array<i32>} : memref<256x128xf32, #tpu.memory_space<vmem>>, vector<1x16xf32>,
      %swap3A_776 = vector.shape_cast %swap3A_775 : vector<1x16xf32> to vector<16xf32>
      %swap3A_777 = vector.shape_cast %get3A_756 : vector<16xf32> to vector<1x16xf32>
      tpu.vector_store %arg7[%swap3A_773, %swap3A_774], %swap3A_777 {add = true, strides = array<i32>} : memref<256x128xf32, #tpu.memory_space<vmem>>, vector<1x16xf32>,
      %add3A_778 = arith.constant 224 : i32
      %add3A_779 = arith.addi %add3A_778, %scan3A_684 : i32
      %swap3A_780 = arith.index_cast %add3A_779 : i32 to index
      %swap3A_781 = arith.constant 32 : index
      %swap3A_782 = tpu.vector_load %arg7[%swap3A_780, %swap3A_781] {strides = array<i32>} : memref<256x128xf32, #tpu.memory_space<vmem>>, vector<1x16xf32>,
      %swap3A_783 = vector.shape_cast %swap3A_782 : vector<1x16xf32> to vector<16xf32>
      %swap3A_784 = vector.shape_cast %get3A_756 : vector<16xf32> to vector<1x16xf32>
      tpu.vector_store %arg7[%swap3A_780, %swap3A_781], %swap3A_784 {add = true, strides = array<i32>} : memref<256x128xf32, #tpu.memory_space<vmem>>, vector<1x16xf32>,
      %add3A_785 = arith.constant 32 : i32
      %add3A_786 = arith.addi %add3A_785, %scan3A_684 : i32
      %get3A_787 = arith.index_cast %add3A_786 : i32 to index
      %get3A_788 = arith.constant 48 : index
      %get3A_789 = tpu.vector_load %arg8[%get3A_787, %get3A_788] {strides = array<i32>} : memref<64x128xf32, #tpu.memory_space<vmem>>, vector<1x16xf32>,
      %get3A_790 = vector.shape_cast %get3A_789 : vector<1x16xf32> to vector<16xf32>
      %add3A_791 = arith.constant 32 : i32
      %add3A_792 = arith.addi %add3A_791, %scan3A_684 : i32
      %swap3A_793 = arith.index_cast %add3A_792 : i32 to index
      %swap3A_794 = arith.constant 48 : index
      %swap3A_795 = tpu.vector_load %arg7[%swap3A_793, %swap3A_794] {strides = array<i32>} : memref<256x128xf32, #tpu.memory_space<vmem>>, vector<1x16xf32>,
      %swap3A_796 = vector.shape_cast %swap3A_795 : vector<1x16xf32> to vector<16xf32>
      %swap3A_797 = vector.shape_cast %get3A_790 : vector<16xf32> to vector<1x16xf32>
      tpu.vector_store %arg7[%swap3A_793, %swap3A_794], %swap3A_797 {add = true, strides = array<i32>} : memref<256x128xf32, #tpu.memory_space<vmem>>, vector<1x16xf32>,
      %add3A_798 = arith.constant 96 : i32
      %add3A_799 = arith.addi %add3A_798, %scan3A_684 : i32
      %swap3A_800 = arith.index_cast %add3A_799 : i32 to index
      %swap3A_801 = arith.constant 48 : index
      %swap3A_802 = tpu.vector_load %arg7[%swap3A_800, %swap3A_801] {strides = array<i32>} : memref<256x128xf32, #tpu.memory_space<vmem>>, vector<1x16xf32>,
      %swap3A_803 = vector.shape_cast %swap3A_802 : vector<1x16xf32> to vector<16xf32>
      %swap3A_804 = vector.shape_cast %get3A_790 : vector<16xf32> to vector<1x16xf32>
      tpu.vector_store %arg7[%swap3A_800, %swap3A_801], %swap3A_804 {add = true, strides = array<i32>} : memref<256x128xf32, #tpu.memory_space<vmem>>, vector<1x16xf32>,
      %add3A_805 = arith.constant 160 : i32
      %add3A_806 = arith.addi %add3A_805, %scan3A_684 : i32
      %swap3A_807 = arith.index_cast %add3A_806 : i32 to index
      %swap3A_808 = arith.constant 48 : index
      %swap3A_809 = tpu.vector_load %arg7[%swap3A_807, %swap3A_808] {strides = array<i32>} : memref<256x128xf32, #tpu.memory_space<vmem>>, vector<1x16xf32>,
      %swap3A_810 = vector.shape_cast %swap3A_809 : vector<1x16xf32> to vector<16xf32>
      %swap3A_811 = vector.shape_cast %get3A_790 : vector<16xf32> to vector<1x16xf32>
      tpu.vector_store %arg7[%swap3A_807, %swap3A_808], %swap3A_811 {add = true, strides = array<i32>} : memref<256x128xf32, #tpu.memory_space<vmem>>, vector<1x16xf32>,
      %add3A_812 = arith.constant 224 : i32
      %add3A_813 = arith.addi %add3A_812, %scan3A_684 : i32
      %swap3A_814 = arith.index_cast %add3A_813 : i32 to index
      %swap3A_815 = arith.constant 48 : index
      %swap3A_816 = tpu.vector_load %arg7[%swap3A_814, %swap3A_815] {strides = array<i32>} : memref<256x128xf32, #tpu.memory_space<vmem>>, vector<1x16xf32>,
      %swap3A_817 = vector.shape_cast %swap3A_816 : vector<1x16xf32> to vector<16xf32>
      %swap3A_818 = vector.shape_cast %get3A_790 : vector<16xf32> to vector<1x16xf32>
      tpu.vector_store %arg7[%swap3A_814, %swap3A_815], %swap3A_818 {add = true, strides = array<i32>} : memref<256x128xf32, #tpu.memory_space<vmem>>, vector<1x16xf32>,
      %add3A_819 = arith.constant 32 : i32
      %add3A_820 = arith.addi %add3A_819, %scan3A_684 : i32
      %get3A_821 = arith.index_cast %add3A_820 : i32 to index
      %get3A_822 = arith.constant 64 : index
      %get3A_823 = tpu.vector_load %arg8[%get3A_821, %get3A_822] {strides = array<i32>} : memref<64x128xf32, #tpu.memory_space<vmem>>, vector<1x16xf32>,
      %get3A_824 = vector.shape_cast %get3A_823 : vector<1x16xf32> to vector<16xf32>
      %add3A_825 = arith.constant 32 : i32
      %add3A_826 = arith.addi %add3A_825, %scan3A_684 : i32
      %swap3A_827 = arith.index_cast %add3A_826 : i32 to index
      %swap3A_828 = arith.constant 64 : index
      %swap3A_829 = tpu.vector_load %arg7[%swap3A_827, %swap3A_828] {strides = array<i32>} : memref<256x128xf32, #tpu.memory_space<vmem>>, vector<1x16xf32>,
      %swap3A_830 = vector.shape_cast %swap3A_829 : vector<1x16xf32> to vector<16xf32>
      %swap3A_831 = vector.shape_cast %get3A_824 : vector<16xf32> to vector<1x16xf32>
      tpu.vector_store %arg7[%swap3A_827, %swap3A_828], %swap3A_831 {add = true, strides = array<i32>} : memref<256x128xf32, #tpu.memory_space<vmem>>, vector<1x16xf32>,
      %add3A_832 = arith.constant 96 : i32
      %add3A_833 = arith.addi %add3A_832, %scan3A_684 : i32
      %swap3A_834 = arith.index_cast %add3A_833 : i32 to index
      %swap3A_835 = arith.constant 64 : index
      %swap3A_836 = tpu.vector_load %arg7[%swap3A_834, %swap3A_835] {strides = array<i32>} : memref<256x128xf32, #tpu.memory_space<vmem>>, vector<1x16xf32>,
      %swap3A_837 = vector.shape_cast %swap3A_836 : vector<1x16xf32> to vector<16xf32>
      %swap3A_838 = vector.shape_cast %get3A_824 : vector<16xf32> to vector<1x16xf32>
      tpu.vector_store %arg7[%swap3A_834, %swap3A_835], %swap3A_838 {add = true, strides = array<i32>} : memref<256x128xf32, #tpu.memory_space<vmem>>, vector<1x16xf32>,
      %add3A_839 = arith.constant 160 : i32
      %add3A_840 = arith.addi %add3A_839, %scan3A_684 : i32
      %swap3A_841 = arith.index_cast %add3A_840 : i32 to index
      %swap3A_842 = arith.constant 64 : index
      %swap3A_843 = tpu.vector_load %arg7[%swap3A_841, %swap3A_842] {strides = array<i32>} : memref<256x128xf32, #tpu.memory_space<vmem>>, vector<1x16xf32>,
      %swap3A_844 = vector.shape_cast %swap3A_843 : vector<1x16xf32> to vector<16xf32>
      %swap3A_845 = vector.shape_cast %get3A_824 : vector<16xf32> to vector<1x16xf32>
      tpu.vector_store %arg7[%swap3A_841, %swap3A_842], %swap3A_845 {add = true, strides = array<i32>} : memref<256x128xf32, #tpu.memory_space<vmem>>, vector<1x16xf32>,
      %add3A_846 = arith.constant 224 : i32
      %add3A_847 = arith.addi %add3A_846, %scan3A_684 : i32
      %swap3A_848 = arith.index_cast %add3A_847 : i32 to index
      %swap3A_849 = arith.constant 64 : index
      %swap3A_850 = tpu.vector_load %arg7[%swap3A_848, %swap3A_849] {strides = array<i32>} : memref<256x128xf32, #tpu.memory_space<vmem>>, vector<1x16xf32>,
      %swap3A_851 = vector.shape_cast %swap3A_850 : vector<1x16xf32> to vector<16xf32>
      %swap3A_852 = vector.shape_cast %get3A_824 : vector<16xf32> to vector<1x16xf32>
      tpu.vector_store %arg7[%swap3A_848, %swap3A_849], %swap3A_852 {add = true, strides = array<i32>} : memref<256x128xf32, #tpu.memory_space<vmem>>, vector<1x16xf32>,
      %add3A_853 = arith.constant 32 : i32
      %add3A_854 = arith.addi %add3A_853, %scan3A_684 : i32
      %get3A_855 = arith.index_cast %add3A_854 : i32 to index
      %get3A_856 = arith.constant 80 : index
      %get3A_857 = tpu.vector_load %arg8[%get3A_855, %get3A_856] {strides = array<i32>} : memref<64x128xf32, #tpu.memory_space<vmem>>, vector<1x16xf32>,
      %get3A_858 = vector.shape_cast %get3A_857 : vector<1x16xf32> to vector<16xf32>
      %add3A_859 = arith.constant 32 : i32
      %add3A_860 = arith.addi %add3A_859, %scan3A_684 : i32
      %swap3A_861 = arith.index_cast %add3A_860 : i32 to index
      %swap3A_862 = arith.constant 80 : index
      %swap3A_863 = tpu.vector_load %arg7[%swap3A_861, %swap3A_862] {strides = array<i32>} : memref<256x128xf32, #tpu.memory_space<vmem>>, vector<1x16xf32>,
      %swap3A_864 = vector.shape_cast %swap3A_863 : vector<1x16xf32> to vector<16xf32>
      %swap3A_865 = vector.shape_cast %get3A_858 : vector<16xf32> to vector<1x16xf32>
      tpu.vector_store %arg7[%swap3A_861, %swap3A_862], %swap3A_865 {add = true, strides = array<i32>} : memref<256x128xf32, #tpu.memory_space<vmem>>, vector<1x16xf32>,
      %add3A_866 = arith.constant 96 : i32
      %add3A_867 = arith.addi %add3A_866, %scan3A_684 : i32
      %swap3A_868 = arith.index_cast %add3A_867 : i32 to index
      %swap3A_869 = arith.constant 80 : index
      %swap3A_870 = tpu.vector_load %arg7[%swap3A_868, %swap3A_869] {strides = array<i32>} : memref<256x128xf32, #tpu.memory_space<vmem>>, vector<1x16xf32>,
      %swap3A_871 = vector.shape_cast %swap3A_870 : vector<1x16xf32> to vector<16xf32>
      %swap3A_872 = vector.shape_cast %get3A_858 : vector<16xf32> to vector<1x16xf32>
      tpu.vector_store %arg7[%swap3A_868, %swap3A_869], %swap3A_872 {add = true, strides = array<i32>} : memref<256x128xf32, #tpu.memory_space<vmem>>, vector<1x16xf32>,
      %add3A_873 = arith.constant 160 : i32
      %add3A_874 = arith.addi %add3A_873, %scan3A_684 : i32
      %swap3A_875 = arith.index_cast %add3A_874 : i32 to index
      %swap3A_876 = arith.constant 80 : index
      %swap3A_877 = tpu.vector_load %arg7[%swap3A_875, %swap3A_876] {strides = array<i32>} : memref<256x128xf32, #tpu.memory_space<vmem>>, vector<1x16xf32>,
      %swap3A_878 = vector.shape_cast %swap3A_877 : vector<1x16xf32> to vector<16xf32>
      %swap3A_879 = vector.shape_cast %get3A_858 : vector<16xf32> to vector<1x16xf32>
      tpu.vector_store %arg7[%swap3A_875, %swap3A_876], %swap3A_879 {add = true, strides = array<i32>} : memref<256x128xf32, #tpu.memory_space<vmem>>, vector<1x16xf32>,
      %add3A_880 = arith.constant 224 : i32
      %add3A_881 = arith.addi %add3A_880, %scan3A_684 : i32
      %swap3A_882 = arith.index_cast %add3A_881 : i32 to index
      %swap3A_883 = arith.constant 80 : index
      %swap3A_884 = tpu.vector_load %arg7[%swap3A_882, %swap3A_883] {strides = array<i32>} : memref<256x128xf32, #tpu.memory_space<vmem>>, vector<1x16xf32>,
      %swap3A_885 = vector.shape_cast %swap3A_884 : vector<1x16xf32> to vector<16xf32>
      %swap3A_886 = vector.shape_cast %get3A_858 : vector<16xf32> to vector<1x16xf32>
      tpu.vector_store %arg7[%swap3A_882, %swap3A_883], %swap3A_886 {add = true, strides = array<i32>} : memref<256x128xf32, #tpu.memory_space<vmem>>, vector<1x16xf32>,
      %add3A_887 = arith.constant 32 : i32
      %add3A_888 = arith.addi %add3A_887, %scan3A_684 : i32
      %get3A_889 = arith.index_cast %add3A_888 : i32 to index
      %get3A_890 = arith.constant 96 : index
      %get3A_891 = tpu.vector_load %arg8[%get3A_889, %get3A_890] {strides = array<i32>} : memref<64x128xf32, #tpu.memory_space<vmem>>, vector<1x16xf32>,
      %get3A_892 = vector.shape_cast %get3A_891 : vector<1x16xf32> to vector<16xf32>
      %add3A_893 = arith.constant 32 : i32
      %add3A_894 = arith.addi %add3A_893, %scan3A_684 : i32
      %swap3A_895 = arith.index_cast %add3A_894 : i32 to index
      %swap3A_896 = arith.constant 96 : index
      %swap3A_897 = tpu.vector_load %arg7[%swap3A_895, %swap3A_896] {strides = array<i32>} : memref<256x128xf32, #tpu.memory_space<vmem>>, vector<1x16xf32>,
      %swap3A_898 = vector.shape_cast %swap3A_897 : vector<1x16xf32> to vector<16xf32>
      %swap3A_899 = vector.shape_cast %get3A_892 : vector<16xf32> to vector<1x16xf32>
      tpu.vector_store %arg7[%swap3A_895, %swap3A_896], %swap3A_899 {add = true, strides = array<i32>} : memref<256x128xf32, #tpu.memory_space<vmem>>, vector<1x16xf32>,
      %add3A_900 = arith.constant 96 : i32
      %add3A_901 = arith.addi %add3A_900, %scan3A_684 : i32
      %swap3A_902 = arith.index_cast %add3A_901 : i32 to index
      %swap3A_903 = arith.constant 96 : index
      %swap3A_904 = tpu.vector_load %arg7[%swap3A_902, %swap3A_903] {strides = array<i32>} : memref<256x128xf32, #tpu.memory_space<vmem>>, vector<1x16xf32>,
      %swap3A_905 = vector.shape_cast %swap3A_904 : vector<1x16xf32> to vector<16xf32>
      %swap3A_906 = vector.shape_cast %get3A_892 : vector<16xf32> to vector<1x16xf32>
      tpu.vector_store %arg7[%swap3A_902, %swap3A_903], %swap3A_906 {add = true, strides = array<i32>} : memref<256x128xf32, #tpu.memory_space<vmem>>, vector<1x16xf32>,
      %add3A_907 = arith.constant 160 : i32
      %add3A_908 = arith.addi %add3A_907, %scan3A_684 : i32
      %swap3A_909 = arith.index_cast %add3A_908 : i32 to index
      %swap3A_910 = arith.constant 96 : index
      %swap3A_911 = tpu.vector_load %arg7[%swap3A_909, %swap3A_910] {strides = array<i32>} : memref<256x128xf32, #tpu.memory_space<vmem>>, vector<1x16xf32>,
      %swap3A_912 = vector.shape_cast %swap3A_911 : vector<1x16xf32> to vector<16xf32>
      %swap3A_913 = vector.shape_cast %get3A_892 : vector<16xf32> to vector<1x16xf32>
      tpu.vector_store %arg7[%swap3A_909, %swap3A_910], %swap3A_913 {add = true, strides = array<i32>} : memref<256x128xf32, #tpu.memory_space<vmem>>, vector<1x16xf32>,
      %add3A_914 = arith.constant 224 : i32
      %add3A_915 = arith.addi %add3A_914, %scan3A_684 : i32
      %swap3A_916 = arith.index_cast %add3A_915 : i32 to index
      %swap3A_917 = arith.constant 96 : index
      %swap3A_918 = tpu.vector_load %arg7[%swap3A_916, %swap3A_917] {strides = array<i32>} : memref<256x128xf32, #tpu.memory_space<vmem>>, vector<1x16xf32>,
      %swap3A_919 = vector.shape_cast %swap3A_918 : vector<1x16xf32> to vector<16xf32>
      %swap3A_920 = vector.shape_cast %get3A_892 : vector<16xf32> to vector<1x16xf32>
      tpu.vector_store %arg7[%swap3A_916, %swap3A_917], %swap3A_920 {add = true, strides = array<i32>} : memref<256x128xf32, #tpu.memory_space<vmem>>, vector<1x16xf32>,
      %add3A_921 = arith.constant 32 : i32
      %add3A_922 = arith.addi %add3A_921, %scan3A_684 : i32
      %get3A_923 = arith.index_cast %add3A_922 : i32 to index
      %get3A_924 = arith.constant 112 : index
      %get3A_925 = tpu.vector_load %arg8[%get3A_923, %get3A_924] {strides = array<i32>} : memref<64x128xf32, #tpu.memory_space<vmem>>, vector<1x16xf32>,
      %get3A_926 = vector.shape_cast %get3A_925 : vector<1x16xf32> to vector<16xf32>
      %add3A_927 = arith.constant 32 : i32
      %add3A_928 = arith.addi %add3A_927, %scan3A_684 : i32
      %swap3A_929 = arith.index_cast %add3A_928 : i32 to index
      %swap3A_930 = arith.constant 112 : index
      %swap3A_931 = tpu.vector_load %arg7[%swap3A_929, %swap3A_930] {strides = array<i32>} : memref<256x128xf32, #tpu.memory_space<vmem>>, vector<1x16xf32>,
      %swap3A_932 = vector.shape_cast %swap3A_931 : vector<1x16xf32> to vector<16xf32>
      %swap3A_933 = vector.shape_cast %get3A_926 : vector<16xf32> to vector<1x16xf32>
      tpu.vector_store %arg7[%swap3A_929, %swap3A_930], %swap3A_933 {add = true, strides = array<i32>} : memref<256x128xf32, #tpu.memory_space<vmem>>, vector<1x16xf32>,
      %add3A_934 = arith.constant 96 : i32
      %add3A_935 = arith.addi %add3A_934, %scan3A_684 : i32
      %swap3A_936 = arith.index_cast %add3A_935 : i32 to index
      %swap3A_937 = arith.constant 112 : index
      %swap3A_938 = tpu.vector_load %arg7[%swap3A_936, %swap3A_937] {strides = array<i32>} : memref<256x128xf32, #tpu.memory_space<vmem>>, vector<1x16xf32>,
      %swap3A_939 = vector.shape_cast %swap3A_938 : vector<1x16xf32> to vector<16xf32>
      %swap3A_940 = vector.shape_cast %get3A_926 : vector<16xf32> to vector<1x16xf32>
      tpu.vector_store %arg7[%swap3A_936, %swap3A_937], %swap3A_940 {add = true, strides = array<i32>} : memref<256x128xf32, #tpu.memory_space<vmem>>, vector<1x16xf32>,
      %add3A_941 = arith.constant 160 : i32
      %add3A_942 = arith.addi %add3A_941, %scan3A_684 : i32
      %swap3A_943 = arith.index_cast %add3A_942 : i32 to index
      %swap3A_944 = arith.constant 112 : index
      %swap3A_945 = tpu.vector_load %arg7[%swap3A_943, %swap3A_944] {strides = array<i32>} : memref<256x128xf32, #tpu.memory_space<vmem>>, vector<1x16xf32>,
      %swap3A_946 = vector.shape_cast %swap3A_945 : vector<1x16xf32> to vector<16xf32>
      %swap3A_947 = vector.shape_cast %get3A_926 : vector<16xf32> to vector<1x16xf32>
      tpu.vector_store %arg7[%swap3A_943, %swap3A_944], %swap3A_947 {add = true, strides = array<i32>} : memref<256x128xf32, #tpu.memory_space<vmem>>, vector<1x16xf32>,
      %add3A_948 = arith.constant 224 : i32
      %add3A_949 = arith.addi %add3A_948, %scan3A_684 : i32
      %swap3A_950 = arith.index_cast %add3A_949 : i32 to index
      %swap3A_951 = arith.constant 112 : index
      %swap3A_952 = tpu.vector_load %arg7[%swap3A_950, %swap3A_951] {strides = array<i32>} : memref<256x128xf32, #tpu.memory_space<vmem>>, vector<1x16xf32>,
      %swap3A_953 = vector.shape_cast %swap3A_952 : vector<1x16xf32> to vector<16xf32>
      %swap3A_954 = vector.shape_cast %get3A_926 : vector<16xf32> to vector<1x16xf32>
      tpu.vector_store %arg7[%swap3A_950, %swap3A_951], %swap3A_954 {add = true, strides = array<i32>} : memref<256x128xf32, #tpu.memory_space<vmem>>, vector<1x16xf32>,
    }
    %scan3A_507 = arith.constant 32 : i32
    %add3A_508 = arith.constant 0 : i32
    %add3A_509 = arith.addi %add3A_508, %mul3A_2 : i32
    %add3A_510 = arith.constant 32 : i32
    %add3A_511 = arith.addi %add3A_509, %add3A_510 : i32
    %dma_start3A_512 = arith.constant 32 : i32
    %dma_start3A_513 = arith.constant 0 : i32
    %dma_start3A_514 = tpu.memref_slice %arg7[%dma_start3A_512, %dma_start3A_513] : memref<256x128xf32, #tpu.memory_space<vmem>> -> memref<32x128xf32, #tpu.memory_space<vmem>>
    %dma_start3A_515 = arith.constant 0 : i32
    %dma_start3A_516 = tpu.memref_slice %arg5[%add3A_511, %dma_start3A_515] : memref<8192x128xf32, #tpu.memory_space<hbm>> -> memref<32x128xf32, #tpu.memory_space<hbm>>
    %dma_start3A_517 = arith.constant 0 : i32
    %dma_start3A_518 = tpu.memref_slice %arg5[%add3A_511, %dma_start3A_517] : memref<8192x128xf32, #tpu.memory_space<hbm>> -> memref<32x128xf32, #tpu.memory_space<hbm>>
    %dma_start3A_519 = arith.constant 32 : i32
    %dma_start3A_520 = arith.constant 0 : i32
    %dma_start3A_521 = tpu.memref_slice %arg7[%dma_start3A_519, %dma_start3A_520] : memref<256x128xf32, #tpu.memory_space<vmem>> -> memref<32x128xf32, #tpu.memory_space<vmem>>
    tpu.enqueue_dma source(%dma_start3A_521 : memref<32x128xf32, #tpu.memory_space<vmem>>) target(%dma_start3A_518 : memref<32x128xf32, #tpu.memory_space<hbm>>) target_semaphore(%arg18 : memref<!tpu.dma_semaphore, #tpu.memory_space<semaphore_mem>>)
    %add3A_522 = arith.constant 2048 : i32
    %add3A_523 = arith.addi %add3A_522, %mul3A_2 : i32
    %add3A_524 = arith.constant 32 : i32
    %add3A_525 = arith.addi %add3A_523, %add3A_524 : i32
    %dma_start3A_526 = arith.constant 96 : i32
    %dma_start3A_527 = arith.constant 0 : i32
    %dma_start3A_528 = tpu.memref_slice %arg7[%dma_start3A_526, %dma_start3A_527] : memref<256x128xf32, #tpu.memory_space<vmem>> -> memref<32x128xf32, #tpu.memory_space<vmem>>
    %dma_start3A_529 = arith.constant 0 : i32
    %dma_start3A_530 = tpu.memref_slice %arg5[%add3A_525, %dma_start3A_529] : memref<8192x128xf32, #tpu.memory_space<hbm>> -> memref<32x128xf32, #tpu.memory_space<hbm>>
    %dma_start3A_531 = arith.constant 0 : i32
    %dma_start3A_532 = tpu.memref_slice %arg5[%add3A_525, %dma_start3A_531] : memref<8192x128xf32, #tpu.memory_space<hbm>> -> memref<32x128xf32, #tpu.memory_space<hbm>>
    %dma_start3A_533 = arith.constant 96 : i32
    %dma_start3A_534 = arith.constant 0 : i32
    %dma_start3A_535 = tpu.memref_slice %arg7[%dma_start3A_533, %dma_start3A_534] : memref<256x128xf32, #tpu.memory_space<vmem>> -> memref<32x128xf32, #tpu.memory_space<vmem>>
    tpu.enqueue_dma source(%dma_start3A_535 : memref<32x128xf32, #tpu.memory_space<vmem>>) target(%dma_start3A_532 : memref<32x128xf32, #tpu.memory_space<hbm>>) target_semaphore(%arg18 : memref<!tpu.dma_semaphore, #tpu.memory_space<semaphore_mem>>)
    %add3A_536 = arith.constant 4096 : i32
    %add3A_537 = arith.addi %add3A_536, %mul3A_2 : i32
    %add3A_538 = arith.constant 32 : i32
    %add3A_539 = arith.addi %add3A_537, %add3A_538 : i32
    %dma_start3A_540 = arith.constant 160 : i32
    %dma_start3A_541 = arith.constant 0 : i32
    %dma_start3A_542 = tpu.memref_slice %arg7[%dma_start3A_540, %dma_start3A_541] : memref<256x128xf32, #tpu.memory_space<vmem>> -> memref<32x128xf32, #tpu.memory_space<vmem>>
    %dma_start3A_543 = arith.constant 0 : i32
    %dma_start3A_544 = tpu.memref_slice %arg5[%add3A_539, %dma_start3A_543] : memref<8192x128xf32, #tpu.memory_space<hbm>> -> memref<32x128xf32, #tpu.memory_space<hbm>>
    %dma_start3A_545 = arith.constant 0 : i32
    %dma_start3A_546 = tpu.memref_slice %arg5[%add3A_539, %dma_start3A_545] : memref<8192x128xf32, #tpu.memory_space<hbm>> -> memref<32x128xf32, #tpu.memory_space<hbm>>
    %dma_start3A_547 = arith.constant 160 : i32
    %dma_start3A_548 = arith.constant 0 : i32
    %dma_start3A_549 = tpu.memref_slice %arg7[%dma_start3A_547, %dma_start3A_548] : memref<256x128xf32, #tpu.memory_space<vmem>> -> memref<32x128xf32, #tpu.memory_space<vmem>>
    tpu.enqueue_dma source(%dma_start3A_549 : memref<32x128xf32, #tpu.memory_space<vmem>>) target(%dma_start3A_546 : memref<32x128xf32, #tpu.memory_space<hbm>>) target_semaphore(%arg18 : memref<!tpu.dma_semaphore, #tpu.memory_space<semaphore_mem>>)
    %add3A_550 = arith.constant 6144 : i32
    %add3A_551 = arith.addi %add3A_550, %mul3A_2 : i32
    %add3A_552 = arith.constant 32 : i32
    %add3A_553 = arith.addi %add3A_551, %add3A_552 : i32
    %dma_start3A_554 = arith.constant 224 : i32
    %dma_start3A_555 = arith.constant 0 : i32
    %dma_start3A_556 = tpu.memref_slice %arg7[%dma_start3A_554, %dma_start3A_555] : memref<256x128xf32, #tpu.memory_space<vmem>> -> memref<32x128xf32, #tpu.memory_space<vmem>>
    %dma_start3A_557 = arith.constant 0 : i32
    %dma_start3A_558 = tpu.memref_slice %arg5[%add3A_553, %dma_start3A_557] : memref<8192x128xf32, #tpu.memory_space<hbm>> -> memref<32x128xf32, #tpu.memory_space<hbm>>
    %dma_start3A_559 = arith.constant 0 : i32
    %dma_start3A_560 = tpu.memref_slice %arg5[%add3A_553, %dma_start3A_559] : memref<8192x128xf32, #tpu.memory_space<hbm>> -> memref<32x128xf32, #tpu.memory_space<hbm>>
    %dma_start3A_561 = arith.constant 224 : i32
    %dma_start3A_562 = arith.constant 0 : i32
    %dma_start3A_563 = tpu.memref_slice %arg7[%dma_start3A_561, %dma_start3A_562] : memref<256x128xf32, #tpu.memory_space<vmem>> -> memref<32x128xf32, #tpu.memory_space<vmem>>
    tpu.enqueue_dma source(%dma_start3A_563 : memref<32x128xf32, #tpu.memory_space<vmem>>) target(%dma_start3A_560 : memref<32x128xf32, #tpu.memory_space<hbm>>) target_semaphore(%arg18 : memref<!tpu.dma_semaphore, #tpu.memory_space<semaphore_mem>>)
    %dma_wait3A_564 = arith.constant 0 : i32
    %dma_wait3A_565 = arith.constant 0 : i32
    %dma_wait3A_566 = tpu.memref_slice %arg7[%dma_wait3A_564, %dma_wait3A_565] : memref<256x128xf32, #tpu.memory_space<vmem>> -> memref<8x128xf32, #tpu.memory_space<vmem>>
    %dma_wait3A_567 = arith.constant 0 : i32
    %dma_wait3A_568 = tpu.memref_slice %arg5[%add3A_297, %dma_wait3A_567] : memref<8192x128xf32, #tpu.memory_space<hbm>> -> memref<8x128xf32, #tpu.memory_space<hbm>>
    %dma_wait3A_569 = arith.constant 0 : i32
    %dma_wait3A_570 = tpu.memref_slice %arg5[%add3A_297, %dma_wait3A_569] : memref<8192x128xf32, #tpu.memory_space<hbm>> -> memref<8x128xf32, #tpu.memory_space<hbm>>
    %dma_wait3A_571 = arith.constant 0 : i32
    %dma_wait3A_572 = arith.constant 0 : i32
    %dma_wait3A_573 = tpu.memref_slice %arg7[%dma_wait3A_571, %dma_wait3A_572] : memref<256x128xf32, #tpu.memory_space<vmem>> -> memref<8x128xf32, #tpu.memory_space<vmem>>
    tpu.wait_dma2 semaphore(%arg18 : memref<!tpu.dma_semaphore, #tpu.memory_space<semaphore_mem>>) src(%dma_wait3A_573 : memref<8x128xf32, #tpu.memory_space<vmem>>) dst(%dma_wait3A_570 : memref<8x128xf32, #tpu.memory_space<hbm>>)
    %dma_wait3A_574 = arith.constant 64 : i32
    %dma_wait3A_575 = arith.constant 0 : i32
    %dma_wait3A_576 = tpu.memref_slice %arg7[%dma_wait3A_574, %dma_wait3A_575] : memref<256x128xf32, #tpu.memory_space<vmem>> -> memref<8x128xf32, #tpu.memory_space<vmem>>
    %dma_wait3A_577 = arith.constant 0 : i32
    %dma_wait3A_578 = tpu.memref_slice %arg5[%add3A_311, %dma_wait3A_577] : memref<8192x128xf32, #tpu.memory_space<hbm>> -> memref<8x128xf32, #tpu.memory_space<hbm>>
    %dma_wait3A_579 = arith.constant 0 : i32
    %dma_wait3A_580 = tpu.memref_slice %arg5[%add3A_311, %dma_wait3A_579] : memref<8192x128xf32, #tpu.memory_space<hbm>> -> memref<8x128xf32, #tpu.memory_space<hbm>>
    %dma_wait3A_581 = arith.constant 64 : i32
    %dma_wait3A_582 = arith.constant 0 : i32
    %dma_wait3A_583 = tpu.memref_slice %arg7[%dma_wait3A_581, %dma_wait3A_582] : memref<256x128xf32, #tpu.memory_space<vmem>> -> memref<8x128xf32, #tpu.memory_space<vmem>>
    tpu.wait_dma2 semaphore(%arg18 : memref<!tpu.dma_semaphore, #tpu.memory_space<semaphore_mem>>) src(%dma_wait3A_583 : memref<8x128xf32, #tpu.memory_space<vmem>>) dst(%dma_wait3A_580 : memref<8x128xf32, #tpu.memory_space<hbm>>)
    %dma_wait3A_584 = arith.constant 128 : i32
    %dma_wait3A_585 = arith.constant 0 : i32
    %dma_wait3A_586 = tpu.memref_slice %arg7[%dma_wait3A_584, %dma_wait3A_585] : memref<256x128xf32, #tpu.memory_space<vmem>> -> memref<8x128xf32, #tpu.memory_space<vmem>>
    %dma_wait3A_587 = arith.constant 0 : i32
    %dma_wait3A_588 = tpu.memref_slice %arg5[%add3A_325, %dma_wait3A_587] : memref<8192x128xf32, #tpu.memory_space<hbm>> -> memref<8x128xf32, #tpu.memory_space<hbm>>
    %dma_wait3A_589 = arith.constant 0 : i32
    %dma_wait3A_590 = tpu.memref_slice %arg5[%add3A_325, %dma_wait3A_589] : memref<8192x128xf32, #tpu.memory_space<hbm>> -> memref<8x128xf32, #tpu.memory_space<hbm>>
    %dma_wait3A_591 = arith.constant 128 : i32
    %dma_wait3A_592 = arith.constant 0 : i32
    %dma_wait3A_593 = tpu.memref_slice %arg7[%dma_wait3A_591, %dma_wait3A_592] : memref<256x128xf32, #tpu.memory_space<vmem>> -> memref<8x128xf32, #tpu.memory_space<vmem>>
    tpu.wait_dma2 semaphore(%arg18 : memref<!tpu.dma_semaphore, #tpu.memory_space<semaphore_mem>>) src(%dma_wait3A_593 : memref<8x128xf32, #tpu.memory_space<vmem>>) dst(%dma_wait3A_590 : memref<8x128xf32, #tpu.memory_space<hbm>>)
    %dma_wait3A_594 = arith.constant 192 : i32
    %dma_wait3A_595 = arith.constant 0 : i32
    %dma_wait3A_596 = tpu.memref_slice %arg7[%dma_wait3A_594, %dma_wait3A_595] : memref<256x128xf32, #tpu.memory_space<vmem>> -> memref<8x128xf32, #tpu.memory_space<vmem>>
    %dma_wait3A_597 = arith.constant 0 : i32
    %dma_wait3A_598 = tpu.memref_slice %arg5[%add3A_339, %dma_wait3A_597] : memref<8192x128xf32, #tpu.memory_space<hbm>> -> memref<8x128xf32, #tpu.memory_space<hbm>>
    %dma_wait3A_599 = arith.constant 0 : i32
    %dma_wait3A_600 = tpu.memref_slice %arg5[%add3A_339, %dma_wait3A_599] : memref<8192x128xf32, #tpu.memory_space<hbm>> -> memref<8x128xf32, #tpu.memory_space<hbm>>
    %dma_wait3A_601 = arith.constant 192 : i32
    %dma_wait3A_602 = arith.constant 0 : i32
    %dma_wait3A_603 = tpu.memref_slice %arg7[%dma_wait3A_601, %dma_wait3A_602] : memref<256x128xf32, #tpu.memory_space<vmem>> -> memref<8x128xf32, #tpu.memory_space<vmem>>
    tpu.wait_dma2 semaphore(%arg18 : memref<!tpu.dma_semaphore, #tpu.memory_space<semaphore_mem>>) src(%dma_wait3A_603 : memref<8x128xf32, #tpu.memory_space<vmem>>) dst(%dma_wait3A_600 : memref<8x128xf32, #tpu.memory_space<hbm>>)
    %dma_wait3A_604 = arith.constant 8 : i32
    %dma_wait3A_605 = arith.constant 0 : i32
    %dma_wait3A_606 = tpu.memref_slice %arg7[%dma_wait3A_604, %dma_wait3A_605] : memref<256x128xf32, #tpu.memory_space<vmem>> -> memref<24x128xf32, #tpu.memory_space<vmem>>
    %dma_wait3A_607 = arith.constant 0 : i32
    %dma_wait3A_608 = tpu.memref_slice %arg5[%add3A_409, %dma_wait3A_607] : memref<8192x128xf32, #tpu.memory_space<hbm>> -> memref<24x128xf32, #tpu.memory_space<hbm>>
    %dma_wait3A_609 = arith.constant 0 : i32
    %dma_wait3A_610 = tpu.memref_slice %arg5[%add3A_409, %dma_wait3A_609] : memref<8192x128xf32, #tpu.memory_space<hbm>> -> memref<24x128xf32, #tpu.memory_space<hbm>>
    %dma_wait3A_611 = arith.constant 8 : i32
    %dma_wait3A_612 = arith.constant 0 : i32
    %dma_wait3A_613 = tpu.memref_slice %arg7[%dma_wait3A_611, %dma_wait3A_612] : memref<256x128xf32, #tpu.memory_space<vmem>> -> memref<24x128xf32, #tpu.memory_space<vmem>>
    tpu.wait_dma2 semaphore(%arg18 : memref<!tpu.dma_semaphore, #tpu.memory_space<semaphore_mem>>) src(%dma_wait3A_613 : memref<24x128xf32, #tpu.memory_space<vmem>>) dst(%dma_wait3A_610 : memref<24x128xf32, #tpu.memory_space<hbm>>)
    %dma_wait3A_614 = arith.constant 72 : i32
    %dma_wait3A_615 = arith.constant 0 : i32
    %dma_wait3A_616 = tpu.memref_slice %arg7[%dma_wait3A_614, %dma_wait3A_615] : memref<256x128xf32, #tpu.memory_space<vmem>> -> memref<24x128xf32, #tpu.memory_space<vmem>>
    %dma_wait3A_617 = arith.constant 0 : i32
    %dma_wait3A_618 = tpu.memref_slice %arg5[%add3A_423, %dma_wait3A_617] : memref<8192x128xf32, #tpu.memory_space<hbm>> -> memref<24x128xf32, #tpu.memory_space<hbm>>
    %dma_wait3A_619 = arith.constant 0 : i32
    %dma_wait3A_620 = tpu.memref_slice %arg5[%add3A_423, %dma_wait3A_619] : memref<8192x128xf32, #tpu.memory_space<hbm>> -> memref<24x128xf32, #tpu.memory_space<hbm>>
    %dma_wait3A_621 = arith.constant 72 : i32
    %dma_wait3A_622 = arith.constant 0 : i32
    %dma_wait3A_623 = tpu.memref_slice %arg7[%dma_wait3A_621, %dma_wait3A_622] : memref<256x128xf32, #tpu.memory_space<vmem>> -> memref<24x128xf32, #tpu.memory_space<vmem>>
    tpu.wait_dma2 semaphore(%arg18 : memref<!tpu.dma_semaphore, #tpu.memory_space<semaphore_mem>>) src(%dma_wait3A_623 : memref<24x128xf32, #tpu.memory_space<vmem>>) dst(%dma_wait3A_620 : memref<24x128xf32, #tpu.memory_space<hbm>>)
    %dma_wait3A_624 = arith.constant 136 : i32
    %dma_wait3A_625 = arith.constant 0 : i32
    %dma_wait3A_626 = tpu.memref_slice %arg7[%dma_wait3A_624, %dma_wait3A_625] : memref<256x128xf32, #tpu.memory_space<vmem>> -> memref<24x128xf32, #tpu.memory_space<vmem>>
    %dma_wait3A_627 = arith.constant 0 : i32
    %dma_wait3A_628 = tpu.memref_slice %arg5[%add3A_437, %dma_wait3A_627] : memref<8192x128xf32, #tpu.memory_space<hbm>> -> memref<24x128xf32, #tpu.memory_space<hbm>>
    %dma_wait3A_629 = arith.constant 0 : i32
    %dma_wait3A_630 = tpu.memref_slice %arg5[%add3A_437, %dma_wait3A_629] : memref<8192x128xf32, #tpu.memory_space<hbm>> -> memref<24x128xf32, #tpu.memory_space<hbm>>
    %dma_wait3A_631 = arith.constant 136 : i32
    %dma_wait3A_632 = arith.constant 0 : i32
    %dma_wait3A_633 = tpu.memref_slice %arg7[%dma_wait3A_631, %dma_wait3A_632] : memref<256x128xf32, #tpu.memory_space<vmem>> -> memref<24x128xf32, #tpu.memory_space<vmem>>
    tpu.wait_dma2 semaphore(%arg18 : memref<!tpu.dma_semaphore, #tpu.memory_space<semaphore_mem>>) src(%dma_wait3A_633 : memref<24x128xf32, #tpu.memory_space<vmem>>) dst(%dma_wait3A_630 : memref<24x128xf32, #tpu.memory_space<hbm>>)
    %dma_wait3A_634 = arith.constant 200 : i32
    %dma_wait3A_635 = arith.constant 0 : i32
    %dma_wait3A_636 = tpu.memref_slice %arg7[%dma_wait3A_634, %dma_wait3A_635] : memref<256x128xf32, #tpu.memory_space<vmem>> -> memref<24x128xf32, #tpu.memory_space<vmem>>
    %dma_wait3A_637 = arith.constant 0 : i32
    %dma_wait3A_638 = tpu.memref_slice %arg5[%add3A_451, %dma_wait3A_637] : memref<8192x128xf32, #tpu.memory_space<hbm>> -> memref<24x128xf32, #tpu.memory_space<hbm>>
    %dma_wait3A_639 = arith.constant 0 : i32
    %dma_wait3A_640 = tpu.memref_slice %arg5[%add3A_451, %dma_wait3A_639] : memref<8192x128xf32, #tpu.memory_space<hbm>> -> memref<24x128xf32, #tpu.memory_space<hbm>>
    %dma_wait3A_641 = arith.constant 200 : i32
    %dma_wait3A_642 = arith.constant 0 : i32
    %dma_wait3A_643 = tpu.memref_slice %arg7[%dma_wait3A_641, %dma_wait3A_642] : memref<256x128xf32, #tpu.memory_space<vmem>> -> memref<24x128xf32, #tpu.memory_space<vmem>>
    tpu.wait_dma2 semaphore(%arg18 : memref<!tpu.dma_semaphore, #tpu.memory_space<semaphore_mem>>) src(%dma_wait3A_643 : memref<24x128xf32, #tpu.memory_space<vmem>>) dst(%dma_wait3A_640 : memref<24x128xf32, #tpu.memory_space<hbm>>)
    %dma_wait3A_644 = arith.constant 32 : i32
    %dma_wait3A_645 = arith.constant 0 : i32
    %dma_wait3A_646 = tpu.memref_slice %arg7[%dma_wait3A_644, %dma_wait3A_645] : memref<256x128xf32, #tpu.memory_space<vmem>> -> memref<32x128xf32, #tpu.memory_space<vmem>>
    %dma_wait3A_647 = arith.constant 0 : i32
    %dma_wait3A_648 = tpu.memref_slice %arg5[%add3A_511, %dma_wait3A_647] : memref<8192x128xf32, #tpu.memory_space<hbm>> -> memref<32x128xf32, #tpu.memory_space<hbm>>
    %dma_wait3A_649 = arith.constant 0 : i32
    %dma_wait3A_650 = tpu.memref_slice %arg5[%add3A_511, %dma_wait3A_649] : memref<8192x128xf32, #tpu.memory_space<hbm>> -> memref<32x128xf32, #tpu.memory_space<hbm>>
    %dma_wait3A_651 = arith.constant 32 : i32
    %dma_wait3A_652 = arith.constant 0 : i32
    %dma_wait3A_653 = tpu.memref_slice %arg7[%dma_wait3A_651, %dma_wait3A_652] : memref<256x128xf32, #tpu.memory_space<vmem>> -> memref<32x128xf32, #tpu.memory_space<vmem>>
    tpu.wait_dma2 semaphore(%arg18 : memref<!tpu.dma_semaphore, #tpu.memory_space<semaphore_mem>>) src(%dma_wait3A_653 : memref<32x128xf32, #tpu.memory_space<vmem>>) dst(%dma_wait3A_650 : memref<32x128xf32, #tpu.memory_space<hbm>>)
    %dma_wait3A_654 = arith.constant 96 : i32
    %dma_wait3A_655 = arith.constant 0 : i32
    %dma_wait3A_656 = tpu.memref_slice %arg7[%dma_wait3A_654, %dma_wait3A_655] : memref<256x128xf32, #tpu.memory_space<vmem>> -> memref<32x128xf32, #tpu.memory_space<vmem>>
    %dma_wait3A_657 = arith.constant 0 : i32
    %dma_wait3A_658 = tpu.memref_slice %arg5[%add3A_525, %dma_wait3A_657] : memref<8192x128xf32, #tpu.memory_space<hbm>> -> memref<32x128xf32, #tpu.memory_space<hbm>>
    %dma_wait3A_659 = arith.constant 0 : i32
    %dma_wait3A_660 = tpu.memref_slice %arg5[%add3A_525, %dma_wait3A_659] : memref<8192x128xf32, #tpu.memory_space<hbm>> -> memref<32x128xf32, #tpu.memory_space<hbm>>
    %dma_wait3A_661 = arith.constant 96 : i32
    %dma_wait3A_662 = arith.constant 0 : i32
    %dma_wait3A_663 = tpu.memref_slice %arg7[%dma_wait3A_661, %dma_wait3A_662] : memref<256x128xf32, #tpu.memory_space<vmem>> -> memref<32x128xf32, #tpu.memory_space<vmem>>
    tpu.wait_dma2 semaphore(%arg18 : memref<!tpu.dma_semaphore, #tpu.memory_space<semaphore_mem>>) src(%dma_wait3A_663 : memref<32x128xf32, #tpu.memory_space<vmem>>) dst(%dma_wait3A_660 : memref<32x128xf32, #tpu.memory_space<hbm>>)
    %dma_wait3A_664 = arith.constant 160 : i32
    %dma_wait3A_665 = arith.constant 0 : i32
    %dma_wait3A_666 = tpu.memref_slice %arg7[%dma_wait3A_664, %dma_wait3A_665] : memref<256x128xf32, #tpu.memory_space<vmem>> -> memref<32x128xf32, #tpu.memory_space<vmem>>
    %dma_wait3A_667 = arith.constant 0 : i32
    %dma_wait3A_668 = tpu.memref_slice %arg5[%add3A_539, %dma_wait3A_667] : memref<8192x128xf32, #tpu.memory_space<hbm>> -> memref<32x128xf32, #tpu.memory_space<hbm>>
    %dma_wait3A_669 = arith.constant 0 : i32
    %dma_wait3A_670 = tpu.memref_slice %arg5[%add3A_539, %dma_wait3A_669] : memref<8192x128xf32, #tpu.memory_space<hbm>> -> memref<32x128xf32, #tpu.memory_space<hbm>>
    %dma_wait3A_671 = arith.constant 160 : i32
    %dma_wait3A_672 = arith.constant 0 : i32
    %dma_wait3A_673 = tpu.memref_slice %arg7[%dma_wait3A_671, %dma_wait3A_672] : memref<256x128xf32, #tpu.memory_space<vmem>> -> memref<32x128xf32, #tpu.memory_space<vmem>>
    tpu.wait_dma2 semaphore(%arg18 : memref<!tpu.dma_semaphore, #tpu.memory_space<semaphore_mem>>) src(%dma_wait3A_673 : memref<32x128xf32, #tpu.memory_space<vmem>>) dst(%dma_wait3A_670 : memref<32x128xf32, #tpu.memory_space<hbm>>)
    %dma_wait3A_674 = arith.constant 224 : i32
    %dma_wait3A_675 = arith.constant 0 : i32
    %dma_wait3A_676 = tpu.memref_slice %arg7[%dma_wait3A_674, %dma_wait3A_675] : memref<256x128xf32, #tpu.memory_space<vmem>> -> memref<32x128xf32, #tpu.memory_space<vmem>>
    %dma_wait3A_677 = arith.constant 0 : i32
    %dma_wait3A_678 = tpu.memref_slice %arg5[%add3A_553, %dma_wait3A_677] : memref<8192x128xf32, #tpu.memory_space<hbm>> -> memref<32x128xf32, #tpu.memory_space<hbm>>
    %dma_wait3A_679 = arith.constant 0 : i32
    %dma_wait3A_680 = tpu.memref_slice %arg5[%add3A_553, %dma_wait3A_679] : memref<8192x128xf32, #tpu.memory_space<hbm>> -> memref<32x128xf32, #tpu.memory_space<hbm>>
    %dma_wait3A_681 = arith.constant 224 : i32
    %dma_wait3A_682 = arith.constant 0 : i32
    %dma_wait3A_683 = tpu.memref_slice %arg7[%dma_wait3A_681, %dma_wait3A_682] : memref<256x128xf32, #tpu.memory_space<vmem>> -> memref<32x128xf32, #tpu.memory_space<vmem>>
    tpu.wait_dma2 semaphore(%arg18 : memref<!tpu.dma_semaphore, #tpu.memory_space<semaphore_mem>>) src(%dma_wait3A_683 : memref<32x128xf32, #tpu.memory_space<vmem>>) dst(%dma_wait3A_680 : memref<32x128xf32, #tpu.memory_space<hbm>>)
    return
  }
}

</mosaic_0001>

<sc_bundles>
// kernel: kernel.3.cloned.1.call-start
scs
__scs_entry_jumppad:
0x0: {  	(pc) =	sbr.rel $0x88, $3  }
0x1: {  	(tag) =	ssettag $0x0;
	lr =	simm.s32 $0x1  }
0x2: {  	[smem:$0x3F9E] =	sst lr;
	_ =	strace $0xD0000000  }
0x3: {  	_ = 	snop  }
0x4: {  	_ = 	snop  }
0x5: {  	_ = 	snop  }
0x6: {  	_ = 	snop  }
0x7: {  	_ = 	snop  }
__scs_overlays_trampoline_lowered:
0x8: {  	[smem:$0x3FAD] =	sst s0  }
0x9: {  	[smem:$0x3FAE] =	sst s1  }
0xa: {  	[smem:$0x3FAF] =	sst s2  }
0xb: {  	[smem:$0x3FB0] =	sst s3  }
0xc: {  	[smem:$0x3FB1] =	sst s4  }
0xd: {  	[smem:$0x3FB2] =	sst s5  }
0xe: {  	[smem:$0x3FB3] =	sst s6  }
0xf: {  	[smem:$0x3FB4] =	sst s7  }
0x10: {  	[smem:$0x3FB5] =	sst s8  }
0x11: {  	[smem:$0x3FB6] =	sst s9;
	s0 =	simm.s32 @!p0 $0x0  }
0x12: {  	s1 =	sld [smem:$0x3F9C];
	s0 =	simm.s32 @p0 $0x1  }
0x13: {  	[smem:$0x3FB7] =	sst s0;
	s0 =	simm.s32 @!p1 $0x0  }
0x14: {  	s2 =	sld [smem:$0x3F9B];
	s0 =	simm.s32 @p1 $0x1  }
0x15: {  	[smem:$0x3FB8] =	sst s0;
	s0 =	simm.s32 @!p2 $0x0  }
0x16: {  	s3 =	sld [smem:$0x3FDB];
	s0 =	simm.s32 @p2 $0x1  }
0x17: {  	s4 =	simm.s32 $0x1BF5;
	[smem:$0x3FBA] =	sst s0  }
0x18: {  	s0 =	sld [smem:$0x3F9D];
	_ =	swait.ge [sflag:s4], $0x0  }
0x19: {  	s7 =	sld [smem:$0x3F9E]  }
0x1a: {  	s8 =	sadd.s32 $0xFFFFE003, lr  }
0x1b: {  	s9 =	sadd.s32 $0xFFFFFEF7, lr;
	s5 =	simm.s32 $0xFFFFFFFF;
	p2 =	slt.u32 s8, $0xFFFFF086  }
0x1c: {  	p1 =	slt.u32 s9, $0xF7A;
	s5 =	simm.s32 @!p2 $0x0  }
0x1d: {  	s5 =	simm.s32 @p1 $0x1;
	p0 =	seq.s32 s7, s2  }
0x1e: {  	s7 =	smul.u32 @!p0 $0xF7A, s2;
	p2 =	seq.s32 @!p0 s5, $0x0  }
0x1f: {  	s9 =	smul.u32 $0xF7A, s1;
	s8 =	simm.s32 @!p0 $0x1BF5;
	p2 =	por !p2, p0  }
0x20: {  	[sflag:s8] =	ssyncset.s32 @!p0 $0xFFFFF086;
	s6 =	sadd.s32 @!p0 s3, s7;
	s7 =	simm.s32 @!p0 $0x108  }
0x21: {  	s3 =	sadd.s32 s3, s9;
	s6 =	sadd.s32 @!p0 $0x88, s6;
	s7 =	simm.s32 @p2 $0x1082  }
0x22: {  	[simem:s7], [sflag:s8] =	dma.local @!p0 [hbm:s6], $0xF7A  }
0x23: {  	s9 =	sor.u32 $0xD0000000, s2;
	s6 =	simm.s32 $0x108;
	_ =	swait.ge @!p0 [sflag:s8], $0x0  }
0x24: {  	s3 =	sadd.s32 $0x88, s3;
	s6 =	simm.s32 @!p1 $0x1082;
	[sflag:s4] =	ssyncset.s32 $0xFFFFF086  }
0x25: {  	[simem:s6], [sflag:s4] =	dma.local [hbm:s3], $0xF7A  }
0x26: {  	[smem:$0x3F9E] =	sst s1;
	(tag) =	ssettag s2;
	_ =	strace s9  }
0x27: {  	s1 =	sld [smem:$0x3FAE]  }
0x28: {  	s2 =	sld [smem:$0x3FAF]  }
0x29: {  	s4 =	sld [smem:$0x3FB1]  }
0x2a: {  	p0 =	seq.s32 s5, $0x0;
	s5 =	sld [smem:$0x3FB2]  }
0x2b: {  	s6 =	sld [smem:$0x3FB3]  }
0x2c: {  	s7 =	sld [smem:$0x3FB4]  }
0x2d: {  	s3 =	simm.s32 $0x108;
	s8 =	sld [smem:$0x3FB5]  }
0x2e: {  	s3 =	simm.s32 @!p0 $0x1082;
	s9 =	sld [smem:$0x3FB6]  }
0x2f: {  	lr =	sadd.s32 s0, s3;
	s0 =	sld [smem:$0x3FAD]  }
0x30: {  	s3 =	sld [smem:$0x3FB0]  }
0x31: {  	[smem:$0x3FB9] =	sst s10  }
0x32: {  	s10 =	sld [smem:$0x3FB7];
	_ =	sdelay $0x3  }
0x33: {  	p0 =	seq.s32 s10, $0x1;
	s10 =	sld [smem:$0x3FB9];
	_ =	sdelay $0x3  }
0x34: {  	[smem:$0x3FB9] =	sst s10  }
0x35: {  	s10 =	sld [smem:$0x3FB8];
	_ =	sdelay $0x3  }
0x36: {  	p1 =	seq.s32 s10, $0x1;
	s10 =	sld [smem:$0x3FB9];
	_ =	sdelay $0x3  }
0x37: {  	[smem:$0x3FB9] =	sst s10  }
0x38: {  	s10 =	sld [smem:$0x3FBA]  }
0x39: {  	_ = 	snop;
	(pc) =	sbr.ind lr, $3  }
0x3a: {  	_ = 	snop  }
0x3b: {  	_ = 	snop  }
0x3c: {  	p2 =	seq.s32 s10, $0x1;
	s10 =	sld [smem:$0x3FB9]  }
0x3d: {  	_ =	shalt  }
0x3e: {  	_ =	shalt  }
0x3f: {  	_ =	shalt  }
0x40: {  	_ =	shalt  }
0x41: {  	_ =	shalt  }
0x42: {  	_ =	shalt  }
0x43: {  	_ =	shalt  }
0x44: {  	_ =	shalt  }
0x45: {  	_ =	shalt  }
0x46: {  	_ =	shalt  }
0x47: {  	_ =	shalt  }
0x48: {  	_ =	shalt  }
0x49: {  	_ =	shalt  }
0x4a: {  	_ =	shalt  }
0x4b: {  	_ =	shalt  }
0x4c: {  	_ =	shalt  }
0x4d: {  	_ =	shalt  }
0x4e: {  	_ =	shalt  }
0x4f: {  	_ =	shalt  }
0x50: {  	_ =	shalt  }
0x51: {  	_ =	shalt  }
0x52: {  	_ =	shalt  }
0x53: {  	_ =	shalt  }
0x54: {  	_ =	shalt  }
0x55: {  	_ =	shalt  }
0x56: {  	_ =	shalt  }
0x57: {  	_ =	shalt  }
0x58: {  	_ =	shalt  }
0x59: {  	_ =	shalt  }
0x5a: {  	_ =	shalt  }
0x5b: {  	_ =	shalt  }
0x5c: {  	_ =	shalt  }
0x5d: {  	_ =	shalt  }
0x5e: {  	_ =	shalt  }
0x5f: {  	_ =	shalt  }
0x60: {  	_ =	shalt  }
0x61: {  	_ =	shalt  }
0x62: {  	_ =	shalt  }
0x63: {  	_ =	shalt  }
0x64: {  	_ =	shalt  }
0x65: {  	_ =	shalt  }
0x66: {  	_ =	shalt  }
0x67: {  	_ =	shalt  }
0x68: {  	_ =	shalt  }
0x69: {  	_ =	shalt  }
0x6a: {  	_ =	shalt  }
0x6b: {  	_ =	shalt  }
0x6c: {  	_ =	shalt  }
0x6d: {  	_ =	shalt  }
0x6e: {  	_ =	shalt  }
0x6f: {  	_ =	shalt  }
0x70: {  	_ =	shalt  }
0x71: {  	_ =	shalt  }
0x72: {  	_ =	shalt  }
0x73: {  	_ =	shalt  }
0x74: {  	_ =	shalt  }
0x75: {  	_ =	shalt  }
0x76: {  	_ =	shalt  }
0x77: {  	_ =	shalt  }
0x78: {  	_ =	shalt  }
0x79: {  	_ =	shalt  }
0x7a: {  	_ =	shalt  }
0x7b: {  	_ =	shalt  }
0x7c: {  	_ =	shalt  }
0x7d: {  	_ =	shalt  }
0x7e: {  	_ =	shalt  }
0x7f: {  	_ =	shalt  }
0x80: {  	_ =	shalt  }
0x81: {  	_ =	shalt  }
0x82: {  	_ =	shalt  }
0x83: {  	_ =	shalt  }
0x84: {  	_ =	shalt  }
0x85: {  	_ =	shalt  }
0x86: {  	_ =	shalt  }
0x87: {  	_ =	shalt  }
.Lfunc_end0:
.L_simem_size_0:
called_computation_lowered:
.L_overlay_start_0:
0x88: {  	s2 =	sld [smem:$0x3FD9]  }
0x89: {  	s3 =	sld [smem:$0x3FFE];
	_ =	sdelay $0x1  }
0x8a: {  	s1 =	srdreg.scid  }
0x8b: {  	s0 =	sand.u32 $0x1, s1  }
0x8c: {  	s18 =	sshll.u32 s0, $0xA;
	s2 =	sadd.s32 s3, s2  }
0x8d: {  	s2 =	sadd.s32 s2, s18  }
0x8e: {  	[smem:$0x3FC5] =	sst s2  }
0x8f: {  	_ = 	snop  }
0x90: {  	s2 =	sld [smem:$0x3FC9]  }
0x91: {  	s19 =	sld [smem:$0x3FC8]  }
0x92: {  	s4 =	sld [smem:$0x3FC7]  }
0x93: {  	s5 =	sld [smem:$0x3FD0];
	(tm) =	ssettm $0x1  }
0x94: {  	s6 =	sld [smem:$0x3FFB];
	_ =	sdelay $0x3  }
0x95: {  	_ =	strace s6  }
0x96: {  	s6 =	sld [smem:$0x3FFC];
	_ =	sdelay $0x3  }
0x97: {  	_ =	strace s6  }
0x98: {  	s6 =	sld [smem:$0x3FFD];
	_ =	sdelay $0x3  }
0x99: {  	_ =	strace s6  }
0x9a: {  	_ =	strace $0x8FFFFFFF  }
0x9b: {  	s20 =	sld [smem:$0x3FDB];
	_ =	sdelay $0x1  }
0x9c: {  	s7 =	simm.s32 $_scs_section_size  }
0x9d: {  	s8 =	simm.s32 $_size__tile_overlayer_lowered;
	s9 =	simm.s32 $_tile_overlayer_lowered  }
0x9e: {  	s23 =	simm.s32 $0x1BFF;
	s22 =	sshll.u32 s9, $0x1;
	s6 =	sadd.s32 s7, s20  }
0x9f: {  	s10 =	simm.s32 $0x0;
	s21 =	sshll.u32 s8, $0x1;
	s8 =	sadd.s32 s22, s6  }
0xa0: {  	[timem:s10], [sflag:s23] =	dma.local [hbm:s8], s21  }
0xa1: {  	_ =	swait.ge [sflag:s23], s21  }
0xa2: {  	s7 =	ssub.s32 $0x0, s21;
	[sflag:s23] =	ssyncset.done $0x0  }
0xa3: {  	[sflag:s23] =	ssyncadd.s32 s7;
	_ =	sdelay $0x1  }
0xa4: {  	s24 =	simm.s32 $0x1B8B  }
0xa5: {  	_ =	swait.ge [sflag:s24], $0x1  }
0xa6: {  	[sflag:s24] =	ssyncset.done $0x0  }
0xa7: {  	s25 =	simm.s32 $0x1B8E;
	[sflag:s24] =	ssyncadd.s32 $0xFFFFFFFF  }
0xa8: {  	s26 =	simm.s32 $execute0_lowered;
	[smem:$0x3FD2] =	sst s25  }
0xa9: {  	s7 =	sshll.u32 s26, $0x1;
	_ =	strace $0x80000046;
	[dreg:$0x1] =	wrdreg $0xFFFFFFFF  }
0xaa: {  	s28 =	simm.s32 $_size_execute0_lowered;
	s6 =	sadd.s32 s6, s7;
	[dreg:$0x0] =	wrdreg $0x0  }
0xab: {  	s7 =	sshll.u32 s28, $0x1;
	[dreg:$0x2] =	wrdreg s6  }
0xac: {  	[dreg:$0x3] =	wrdreg s7  }
0xad: {  	[dreg:$0x4] =	wrdreg $0xC0  }
0xae: {  	_ =	task [dreg:s10], $0x5FFFF  }
0xaf: {  	[dreg:$0x1] =	wrdreg $0xFFFFFFFF  }
0xb0: {  	[dreg:$0x0] =	wrdreg $0x60  }
0xb1: {  	[dreg:$0x2] =	wrdreg s2  }
0xb2: {  	[dreg:$0x3] =	wrdreg s19  }
0xb3: {  	[dreg:$0x4] =	wrdreg s4  }
0xb4: {  	[dreg:$0x5] =	wrdreg s5  }
0xb5: {  	[dreg:$0x6] =	wrdreg $0x9  }
0xb6: {  	_ =	task.clear_ibuf [dreg:s10], $0x7FFFF;
	_ =	strace $0x90000046  }
0xb7: {  	s29 =	simm.s32 $0x9;
	_ =	strace $0x80000048  }
0xb8: {  	_ =	swait.ge [sflag:s29], $0x1  }
0xb9: {  	[sflag:s29] =	ssyncadd.s32 $0xFFFFFFFF  }
0xba: {  	_ =	strace $0x90000048  }
0xbb: {  	_ =	sfence  }
0xbc: {  	s30 =	sld [smem:$0x0];
	_ =	sdelay $0x2  }
0xbd: {  	s31 =	sshll.u32 s1, $0xD;
	s1 =	sshrl.u32 s1, $0x2  }
0xbe: {  	s3 =	sand.u32 $0x4000, s31;
	s1 =	sadd.s32 s1, s30  }
0xbf: {  	s0 =	sor.u32 s3, s0;
	s1 =	sshll.u32 s1, $0x11  }
0xc0: {  	s0 =	sor.u32 s1, s0  }
0xc1: {  	s0 =	sadd.s32 $0x8F2B, s0  }
0xc2: {  	[sflag:s0] =	ssyncadd.remote.s32 $0x1  }
0xc3: {  	_ =	sfence.sel $0xFFFF  }
0xc4: {  	[dreg:$0x0] =	wrdreg $0xFFFFFFFF;
	(pc) =	sbr.abs _section_cstart, $3  }
0xc5: {  	[dreg:$0x1] =	wrdreg $0xFFFFFFFF  }
0xc6: {  	_ =	task.clear_ibuf [dreg:s10], $0x2FFFF;
	_ =	strace $0x9FFFFFFF  }
0xc7: {  	(tm) =	ssettm $0x7FFFFFFF  }
tec
execute0_lowered:
.L_overlay_start_1:
0x0: {  	(tag) =	ssettag $0x1  }
0x1: {  	s2 =	rddreg [dreg:$0x0]  }
0x2: {  	s1 =	rddreg [dreg:$0x1]  }
0x3: {  	s0 =	srdreg.scid;
	s5 =	rddreg [dreg:$0x2]  }
0x4: {  	s3 =	stileid.u32;
	s7 =	rddreg [dreg:$0x3];
	s29 =	simm.s32 $0x4  }
0x5: {  	s30 =	simm.s32 $0x8;
	s28 =	simm.s32 $0x1200;
	s0 =	sand.u32 $0x1, s0  }
0x6: {  	s3 =	sshll.u32 s3, $0x7;
	s4 =	sshll.u32 s0, $0x6;
	s0 =	ssub.s32 $0x2, s0  }
0x7: {  	s6 =	sor.u32 s4, s3;
	s3 =	simm.s32 $0x0;
	s10 =	sshrl.u32 s0, $0x1  }
0x8: {  	s8 =	sshll.u32 s6, $0x2;
	[smem:$0x7FF] =	sst s3;
	s6 =	sshll.u32 s6, $0x4  }
0x9: {  	s0 =	ssub.s32 s0, s10;
	_ =	strace $0x80000047;
	s15 =	sadd.s32 s5, s6  }
0xa: {  	s14 =	sor.u32 $0x80, s6;
	s0 =	smax.u32 s0, $0x1;
	[dreg:$0x9] =	wrdreg s15  }
0xb: {  	s10 =	sadd.s32 s7, s6;
	s16 =	sadd.s32 s5, s14;
	[dreg:$0x16] =	wrdreg s0  }
0xc: {  	s11 =	simm.s32 $0x4200;
	s17 =	sadd.s32 $0x8000, s10;
	[dreg:$0xa] =	wrdreg s16  }
0xd: {  	s31 =	simm.s32 $0x100;
	s18 =	sadd.s32 $0x10000, s10;
	[dreg:$0xb] =	wrdreg s17  }
0xe: {  	s9 =	sand.u32 $0x1E00, s8;
	s19 =	sadd.s32 $0x18000, s10;
	[dreg:$0xc] =	wrdreg s18  }
0xf: {  	s6 =	simm.s32 $0x2200;
	s20 =	sadd.s32 $0x8080, s10;
	[dreg:$0xd] =	wrdreg s19  }
0x10: {  	s9 =	sor.u32 s4, s9;
	s21 =	sadd.s32 $0x10080, s10;
	[dreg:$0xf] =	wrdreg s20  }
0x11: {  	s4 =	sor.u32 s4, s8;
	s22 =	sadd.s32 $0x18080, s10;
	[dreg:$0x10] =	wrdreg s21  }
0x12: {  	s23 =	sadd.s32 $0x200, s10;
	s24 =	sadd.s32 $0x8200, s10;
	[dreg:$0x11] =	wrdreg s22  }
0x13: {  	s25 =	sadd.s32 $0x10200, s10;
	s26 =	sadd.s32 $0x18200, s10;
	[dreg:$0x12] =	wrdreg s23  }
0x14: {  	s5 =	simm.s32 $0x5;
	s15 =	simm.s32 $0x7200;
	[dreg:$0x13] =	wrdreg s24  }
0x15: {  	s9 =	sshrl.u32 s9, $0x3;
	s4 =	sshrl.u32 s4, $0x3;
	[dreg:$0x14] =	wrdreg s25  }
0x16: {  	[dreg:$0x15] =	wrdreg s26;
	s26 =	simm.s32 $0x20;
	s23 =	simm.s32 $0x6200  }
0x17: {  	s24 =	simm.s32 $0x1;
	s16 =	simm.s32 $0x9;
	s25 =	simm.s32 $0x2  }
0x18: {  	s17 =	simm.s32 $0x3;
	s18 =	simm.s32 $0xA;
	s19 =	simm.s32 $0x0  }
0x19: {  	s22 =	simm.s32 $0x180;
	s9 =	sadd.s32 s2, s9;
	s13 =	sor.u32 $0x20, s4  }
0x1a: {  	s4 =	sor.u32 $0x30, s4;
	[dreg:$0x5] =	wrdreg s9;
	s12 =	sadd.s32 $0x10, s9  }
0x1b: {  	s8 =	sadd.s32 s2, s13;
	s2 =	sadd.s32 s2, s4;
	[dreg:$0x6] =	wrdreg s12  }
0x1c: {  	s9 =	simm.s32 $0x6;
	s13 =	simm.s32 $0x5200;
	[dreg:$0x7] =	wrdreg s8  }
0x1d: {  	s4 =	simm.s32 $0x6600;
	[dreg:$0x8] =	wrdreg s2;
	s2 =	sadd.s32 s7, s14  }
0x1e: {  	s7 =	simm.s32 $0x2600;
	s8 =	simm.s32 $0x3200;
	s12 =	simm.s32 $0x4600  }
0x1f: {  	s14 =	simm.s32 $0x7;
	[dreg:$0xe] =	wrdreg s2;
	s2 =	simm.s32 $0x18  }
.LBB2_1:
0x20: {  	s20 =	rddreg [dreg:$0x5]  }
0x21: {  	[tilespmem:s3], [sflag:$0x4] =	stream.linear.gather [hbm4b:s20+s3], $0x40, $0x38;
	[tilespmem:$0xA200] =	vst v63  }
0x22: {  	s0 =	rddreg [dreg:$0x6];
	s21 =	simm.s32 $0x80  }
0x23: {  	[tilespmem:s21], [sflag:$0x5] =	stream.linear.gather [hbm4b:s0+s3], $0x40, $0x38;
	[tilespmem:$0xA200] =	vst v63  }
0x24: {  	s0 =	rddreg [dreg:$0x7]  }
0x25: {  	[tilespmem:s31], [sflag:$0x6] =	stream.linear.gather [hbm4b:s0+s3], $0x40, $0x38;
	[tilespmem:$0xA200] =	vst v63  }
0x26: {  	s0 =	rddreg [dreg:$0x8]  }
0x27: {  	[tilespmem:s22], [sflag:$0x7] =	stream.linear.gather [hbm4b:s0+s3], $0x40, $0x38;
	[tilespmem:$0xA200] =	vst v63  }
0x28: {  	s20 =	rddreg [dreg:$0x9];
	s0 =	simm.s32 $0x8200  }
0x29: {  	[tilespmem:s0], [sflag:$0x8] =	stream.linear.gather [hbm4b:s20+s3], $0x400, $0x38;
	[tilespmem:$0xA200] =	vst v63  }
0x2a: {  	s20 =	rddreg [dreg:$0xa];
	s0 =	simm.s32 $0x8600  }
0x2b: {  	[tilespmem:s0], [sflag:$0x9] =	stream.linear.gather [hbm4b:s20+s3], $0x1C00, $0x38;
	[tilespmem:$0xA200] =	vst v63  }
0x2c: {  	_ =	swait.ge [sflag:s29], $0x40  }
0x2d: {  	[sflag:s29] =	ssyncset.done $0x0  }
0x2e: {  	s0 =	simm.s32 $0x200;
	[sflag:s29] =	ssyncadd.s32 $0xFFFFFFC0  }
0x2f: {  	[tilespmem:s0], [sflag:$0x1] =	stream.indirect.gather [hbm4b:s1+s30], $0x80, s3, s30, $0xb8;
	[tilespmem:$0xA200] =	vst v63  }
0x30: {  	s20 =	simm.s32 $0x600  }
0x31: {  	[tilespmem:s20], [sflag:$0x2] =	stream.indirect.gather [hbm4b:s1+s2], $0x80, s30, s2, $0xb8;
	[tilespmem:$0xA200] =	vst v63  }
0x32: {  	_ = 	snop  }
0x33: {  	[tilespmem:s28], [sflag:$0x3] =	stream.indirect.gather [hbm4b:s1+s26], $0x80, s26, s26, $0xb8;
	[tilespmem:$0xA200] =	vst v63  }
0x34: {  	_ =	swait.ge [sflag:s5], $0x40  }
0x35: {  	[sflag:s5] =	ssyncset.done $0x0  }
0x36: {  	[sflag:s5] =	ssyncadd.s32 $0xFFFFFFC0  }
0x37: {  	[tilespmem:s6], [sflag:$0x1] =	stream.indirect.gather [hbm4b:s1+s30], $0x80, s21, s30, $0xb8;
	[tilespmem:$0xA200] =	vst v63  }
0x38: {  	s21 =	simm.s32 $0x88  }
0x39: {  	[tilespmem:s7], [sflag:$0x2] =	stream.indirect.gather [hbm4b:s1+s2], $0x80, s21, s2, $0xb8;
	[tilespmem:$0xA200] =	vst v63  }
0x3a: {  	s21 =	simm.s32 $0xA0  }
0x3b: {  	[tilespmem:s8], [sflag:$0x3] =	stream.indirect.gather [hbm4b:s1+s26], $0x80, s21, s26, $0xb8;
	[tilespmem:$0xA200] =	vst v63  }
0x3c: {  	_ =	swait.ge [sflag:s9], $0x40  }
0x3d: {  	[sflag:s9] =	ssyncset.done $0x0  }
0x3e: {  	[sflag:s9] =	ssyncadd.s32 $0xFFFFFFC0  }
0x3f: {  	[tilespmem:s11], [sflag:$0x1] =	stream.indirect.gather [hbm4b:s1+s30], $0x80, s31, s30, $0xb8;
	[tilespmem:$0xA200] =	vst v63  }
0x40: {  	s21 =	simm.s32 $0x108  }
0x41: {  	[tilespmem:s12], [sflag:$0x2] =	stream.indirect.gather [hbm4b:s1+s2], $0x80, s21, s2, $0xb8;
	[tilespmem:$0xA200] =	vst v63  }
0x42: {  	s21 =	simm.s32 $0x120  }
0x43: {  	[tilespmem:s13], [sflag:$0x3] =	stream.indirect.gather [hbm4b:s1+s26], $0x80, s21, s26, $0xb8;
	[tilespmem:$0xA200] =	vst v63  }
0x44: {  	_ =	swait.ge [sflag:s14], $0x40  }
0x45: {  	[sflag:s14] =	ssyncset.done $0x0  }
0x46: {  	[sflag:s14] =	ssyncadd.s32 $0xFFFFFFC0  }
0x47: {  	[tilespmem:s23], [sflag:$0x1] =	stream.indirect.gather [hbm4b:s1+s30], $0x80, s22, s30, $0xb8;
	[tilespmem:$0xA200] =	vst v63  }
0x48: {  	s21 =	simm.s32 $0x188  }
0x49: {  	[tilespmem:s4], [sflag:$0x2] =	stream.indirect.gather [hbm4b:s1+s2], $0x80, s21, s2, $0xb8;
	[tilespmem:$0xA200] =	vst v63  }
0x4a: {  	s21 =	simm.s32 $0x1A0  }
0x4b: {  	[tilespmem:s15], [sflag:$0x3] =	stream.indirect.gather [hbm4b:s1+s26], $0x80, s21, s26, $0xb8;
	[tilespmem:$0xA200] =	vst v63  }
0x4c: {  	_ =	swait.ge [sflag:s30], $0x400  }
0x4d: {  	[sflag:s30] =	ssyncset.done $0x0  }
0x4e: {  	[sflag:s30] =	ssyncadd.s32 $0xFFFFFC00  }
0x4f: {  	_ =	swait.ge [sflag:s24], $0x400  }
0x50: {  	[sflag:s24] =	ssyncset.done $0x0  }
0x51: {  	[sflag:s24] =	ssyncadd.s32 $0xFFFFFC00  }
0x52: {  	_ =	swait.ge [sflag:s24], $0x400  }
0x53: {  	[sflag:s24] =	ssyncset.done $0x0  }
0x54: {  	[sflag:s24] =	ssyncadd.s32 $0xFFFFFC00  }
0x55: {  	_ =	swait.ge [sflag:s24], $0x400  }
0x56: {  	[sflag:s24] =	ssyncset.done $0x0  }
0x57: {  	[sflag:s24] =	ssyncadd.s32 $0xFFFFFC00  }
0x58: {  	_ =	swait.ge [sflag:s24], $0x400  }
0x59: {  	[sflag:s24] =	ssyncset.done $0x0  }
0x5a: {  	s20 =	simm.s32 $0x0;
	s21 =	simm.s32 $0x200;
	[sflag:s24] =	ssyncadd.s32 $0xFFFFFC00  }
.LBB2_2:
0x5b: {  	p0 =	sne.s32 s21, $0xE00;
	v0 =	vld [tilespmem:s20+$0x8270]  }
0x5c: {  	v1 =	vld [tilespmem:s20+$0x8200]  }
0x5d: {  	v2 =	vld [tilespmem:s20+$0x8210]  }
0x5e: {  	v3 =	vld [tilespmem:s20+$0x8220]  }
0x5f: {  	v4 =	vld [tilespmem:s20+$0x8230]  }
0x60: {  	[tilespmem:s20+$0x6270] =	vst.add.f32.msk $0xffff, v0  }
0x61: {  	v5 =	vld [tilespmem:s20+$0x8240]  }
0x62: {  	v6 =	vld [tilespmem:s20+$0x8250]  }
0x63: {  	v7 =	vld [tilespmem:s20+$0x8260]  }
0x64: {  	[tilespmem:s20+$0x200] =	vst.add.f32.msk $0xffff, v1  }
0x65: {  	[tilespmem:s20+$0x2200] =	vst.add.f32.msk $0xffff, v1  }
0x66: {  	[tilespmem:s20+$0x4200] =	vst.add.f32.msk $0xffff, v1  }
0x67: {  	[tilespmem:s20+$0x6200] =	vst.add.f32.msk $0xffff, v1  }
0x68: {  	[tilespmem:s20+$0x210] =	vst.add.f32.msk $0xffff, v2  }
0x69: {  	[tilespmem:s20+$0x2210] =	vst.add.f32.msk $0xffff, v2  }
0x6a: {  	[tilespmem:s20+$0x4210] =	vst.add.f32.msk $0xffff, v2  }
0x6b: {  	[tilespmem:s20+$0x6210] =	vst.add.f32.msk $0xffff, v2  }
0x6c: {  	[tilespmem:s20+$0x220] =	vst.add.f32.msk $0xffff, v3  }
0x6d: {  	[tilespmem:s20+$0x2220] =	vst.add.f32.msk $0xffff, v3  }
0x6e: {  	[tilespmem:s20+$0x4220] =	vst.add.f32.msk $0xffff, v3  }
0x6f: {  	[tilespmem:s20+$0x6220] =	vst.add.f32.msk $0xffff, v3  }
0x70: {  	[tilespmem:s20+$0x230] =	vst.add.f32.msk $0xffff, v4  }
0x71: {  	[tilespmem:s20+$0x2230] =	vst.add.f32.msk $0xffff, v4  }
0x72: {  	[tilespmem:s20+$0x4230] =	vst.add.f32.msk $0xffff, v4  }
0x73: {  	[tilespmem:s20+$0x6230] =	vst.add.f32.msk $0xffff, v4  }
0x74: {  	[tilespmem:s20+$0x240] =	vst.add.f32.msk $0xffff, v5  }
0x75: {  	[tilespmem:s20+$0x2240] =	vst.add.f32.msk $0xffff, v5  }
0x76: {  	[tilespmem:s20+$0x4240] =	vst.add.f32.msk $0xffff, v5  }
0x77: {  	[tilespmem:s20+$0x6240] =	vst.add.f32.msk $0xffff, v5  }
0x78: {  	[tilespmem:s20+$0x250] =	vst.add.f32.msk $0xffff, v6  }
0x79: {  	[tilespmem:s20+$0x2250] =	vst.add.f32.msk $0xffff, v6  }
0x7a: {  	[tilespmem:s20+$0x4250] =	vst.add.f32.msk $0xffff, v6  }
0x7b: {  	[tilespmem:s20+$0x6250] =	vst.add.f32.msk $0xffff, v6  }
0x7c: {  	[tilespmem:s20+$0x260] =	vst.add.f32.msk $0xffff, v7  }
0x7d: {  	[tilespmem:s20+$0x2260] =	vst.add.f32.msk $0xffff, v7  }
.Ltmp0:
0x7e: {  	[tilespmem:s20+$0x4260] =	vst.add.f32.msk $0xffff, v7;
	(pc) =	sbr.rel @p0 .LBB2_2-.Ltmp0, $4  }
0x7f: {  	[tilespmem:s20+$0x6260] =	vst.add.f32.msk $0xffff, v7  }
0x80: {  	[tilespmem:s20+$0x270] =	vst.add.f32.msk $0xffff, v0  }
0x81: {  	[tilespmem:s20+$0x2270] =	vst.add.f32.msk $0xffff, v0  }
0x82: {  	[tilespmem:s20+$0x4270] =	vst.add.f32.msk $0xffff, v0;
	s20 =	sshra.s32 s21, $0x2;
	s21 =	sadd.s32 $0x200, s21  }
0x83: {  	v0 =	vld [tilespmem:s20+$0x8270]  }
0x84: {  	v1 =	vld [tilespmem:s20+$0x8200]  }
0x85: {  	v2 =	vld [tilespmem:s20+$0x8210]  }
0x86: {  	v3 =	vld [tilespmem:s20+$0x8220]  }
0x87: {  	v4 =	vld [tilespmem:s20+$0x8230]  }
0x88: {  	v5 =	vld [tilespmem:s20+$0x8240]  }
0x89: {  	v6 =	vld [tilespmem:s20+$0x8250]  }
0x8a: {  	v7 =	vld [tilespmem:s20+$0x8260]  }
0x8b: {  	[tilespmem:s20+$0x6270] =	vst.add.f32.msk $0xffff, v0  }
0x8c: {  	[tilespmem:s20+$0x200] =	vst.add.f32.msk $0xffff, v1  }
0x8d: {  	[tilespmem:s20+$0x2200] =	vst.add.f32.msk $0xffff, v1  }
0x8e: {  	[tilespmem:s20+$0x4200] =	vst.add.f32.msk $0xffff, v1  }
0x8f: {  	[tilespmem:s20+$0x6200] =	vst.add.f32.msk $0xffff, v1  }
0x90: {  	[tilespmem:s20+$0x210] =	vst.add.f32.msk $0xffff, v2  }
0x91: {  	[tilespmem:s20+$0x2210] =	vst.add.f32.msk $0xffff, v2  }
0x92: {  	[tilespmem:s20+$0x4210] =	vst.add.f32.msk $0xffff, v2  }
0x93: {  	[tilespmem:s20+$0x6210] =	vst.add.f32.msk $0xffff, v2  }
0x94: {  	[tilespmem:s20+$0x220] =	vst.add.f32.msk $0xffff, v3  }
0x95: {  	[tilespmem:s20+$0x2220] =	vst.add.f32.msk $0xffff, v3  }
0x96: {  	[tilespmem:s20+$0x4220] =	vst.add.f32.msk $0xffff, v3  }
0x97: {  	[tilespmem:s20+$0x6220] =	vst.add.f32.msk $0xffff, v3  }
0x98: {  	[tilespmem:s20+$0x230] =	vst.add.f32.msk $0xffff, v4  }
0x99: {  	[tilespmem:s20+$0x2230] =	vst.add.f32.msk $0xffff, v4  }
0x9a: {  	[tilespmem:s20+$0x4230] =	vst.add.f32.msk $0xffff, v4  }
0x9b: {  	[tilespmem:s20+$0x6230] =	vst.add.f32.msk $0xffff, v4  }
0x9c: {  	[tilespmem:s20+$0x240] =	vst.add.f32.msk $0xffff, v5  }
0x9d: {  	[tilespmem:s20+$0x2240] =	vst.add.f32.msk $0xffff, v5  }
0x9e: {  	[tilespmem:s20+$0x4240] =	vst.add.f32.msk $0xffff, v5  }
0x9f: {  	[tilespmem:s20+$0x6240] =	vst.add.f32.msk $0xffff, v5  }
0xa0: {  	[tilespmem:s20+$0x250] =	vst.add.f32.msk $0xffff, v6  }
0xa1: {  	[tilespmem:s20+$0x2250] =	vst.add.f32.msk $0xffff, v6  }
0xa2: {  	[tilespmem:s20+$0x4250] =	vst.add.f32.msk $0xffff, v6  }
0xa3: {  	[tilespmem:s20+$0x6250] =	vst.add.f32.msk $0xffff, v6  }
0xa4: {  	[tilespmem:s20+$0x260] =	vst.add.f32.msk $0xffff, v7  }
0xa5: {  	[tilespmem:s20+$0x2260] =	vst.add.f32.msk $0xffff, v7  }
0xa6: {  	[tilespmem:s20+$0x4260] =	vst.add.f32.msk $0xffff, v7  }
0xa7: {  	[tilespmem:s20+$0x6260] =	vst.add.f32.msk $0xffff, v7  }
0xa8: {  	[tilespmem:s20+$0x270] =	vst.add.f32.msk $0xffff, v0  }
0xa9: {  	[tilespmem:s20+$0x2270] =	vst.add.f32.msk $0xffff, v0  }
0xaa: {  	[tilespmem:s20+$0x4270] =	vst.add.f32.msk $0xffff, v0;
	s20 =	simm.s32 $0x0  }
0xab: {  	[hbm4b:s10+s20] =	stream.linear.scatter [tilespmem:s0], [sflag:$0xA], $0x400, $0x38;
	[tilespmem:$0xA200] =	vst v63  }
0xac: {  	s21 =	rddreg [dreg:$0xb]  }
0xad: {  	[hbm4b:s21+s20] =	stream.linear.scatter [tilespmem:s6], [sflag:$0xA], $0x400, $0x38;
	[tilespmem:$0xA200] =	vst v63  }
0xae: {  	s0 =	rddreg [dreg:$0xc]  }
0xaf: {  	[hbm4b:s0+s20] =	stream.linear.scatter [tilespmem:s11], [sflag:$0xA], $0x400, $0x38;
	[tilespmem:$0xA200] =	vst v63  }
0xb0: {  	s0 =	rddreg [dreg:$0xd]  }
0xb1: {  	[hbm4b:s0+s20] =	stream.linear.scatter [tilespmem:s23], [sflag:$0xA], $0x400, $0x38;
	[tilespmem:$0xA200] =	vst v63  }
0xb2: {  	_ =	swait.ge [sflag:s16], $0x1C00  }
0xb3: {  	[sflag:s16] =	ssyncset.done $0x0  }
0xb4: {  	[sflag:s16] =	ssyncadd.s32 $0xFFFFE400  }
0xb5: {  	_ =	swait.ge [sflag:s25], $0xC00  }
0xb6: {  	[sflag:s25] =	ssyncset.done $0x0  }
0xb7: {  	[sflag:s25] =	ssyncadd.s32 $0xFFFFF400  }
0xb8: {  	_ =	swait.ge [sflag:s25], $0xC00  }
0xb9: {  	[sflag:s25] =	ssyncset.done $0x0  }
0xba: {  	[sflag:s25] =	ssyncadd.s32 $0xFFFFF400  }
0xbb: {  	_ =	swait.ge [sflag:s25], $0xC00  }
0xbc: {  	[sflag:s25] =	ssyncset.done $0x0  }
0xbd: {  	[sflag:s25] =	ssyncadd.s32 $0xFFFFF400  }
0xbe: {  	_ =	swait.ge [sflag:s25], $0xC00  }
0xbf: {  	[sflag:s25] =	ssyncset.done $0x0  }
0xc0: {  	s21 =	simm.s32 $0x200;
	s20 =	simm.s32 $0x0;
	[sflag:s25] =	ssyncadd.s32 $0xFFFFF400  }
.LBB2_4:
0xc1: {  	p0 =	sne.s32 s21, $0x2E00;
	v0 =	vld [tilespmem:s20+$0x8670]  }
0xc2: {  	v1 =	vld [tilespmem:s20+$0x8600]  }
0xc3: {  	v2 =	vld [tilespmem:s20+$0x8610]  }
0xc4: {  	v3 =	vld [tilespmem:s20+$0x8620]  }
0xc5: {  	v4 =	vld [tilespmem:s20+$0x8630]  }
0xc6: {  	[tilespmem:s20+$0x6670] =	vst.add.f32.msk $0xffff, v0  }
0xc7: {  	v5 =	vld [tilespmem:s20+$0x8640]  }
0xc8: {  	v6 =	vld [tilespmem:s20+$0x8650]  }
0xc9: {  	v7 =	vld [tilespmem:s20+$0x8660]  }
0xca: {  	[tilespmem:s20+$0x600] =	vst.add.f32.msk $0xffff, v1  }
0xcb: {  	[tilespmem:s20+$0x2600] =	vst.add.f32.msk $0xffff, v1  }
0xcc: {  	[tilespmem:s20+$0x4600] =	vst.add.f32.msk $0xffff, v1  }
0xcd: {  	[tilespmem:s20+$0x6600] =	vst.add.f32.msk $0xffff, v1  }
0xce: {  	[tilespmem:s20+$0x610] =	vst.add.f32.msk $0xffff, v2  }
0xcf: {  	[tilespmem:s20+$0x2610] =	vst.add.f32.msk $0xffff, v2  }
0xd0: {  	[tilespmem:s20+$0x4610] =	vst.add.f32.msk $0xffff, v2  }
0xd1: {  	[tilespmem:s20+$0x6610] =	vst.add.f32.msk $0xffff, v2  }
0xd2: {  	[tilespmem:s20+$0x620] =	vst.add.f32.msk $0xffff, v3  }
0xd3: {  	[tilespmem:s20+$0x2620] =	vst.add.f32.msk $0xffff, v3  }
0xd4: {  	[tilespmem:s20+$0x4620] =	vst.add.f32.msk $0xffff, v3  }
0xd5: {  	[tilespmem:s20+$0x6620] =	vst.add.f32.msk $0xffff, v3  }
0xd6: {  	[tilespmem:s20+$0x630] =	vst.add.f32.msk $0xffff, v4  }
0xd7: {  	[tilespmem:s20+$0x2630] =	vst.add.f32.msk $0xffff, v4  }
0xd8: {  	[tilespmem:s20+$0x4630] =	vst.add.f32.msk $0xffff, v4  }
0xd9: {  	[tilespmem:s20+$0x6630] =	vst.add.f32.msk $0xffff, v4  }
0xda: {  	[tilespmem:s20+$0x640] =	vst.add.f32.msk $0xffff, v5  }
0xdb: {  	[tilespmem:s20+$0x2640] =	vst.add.f32.msk $0xffff, v5  }
0xdc: {  	[tilespmem:s20+$0x4640] =	vst.add.f32.msk $0xffff, v5  }
0xdd: {  	[tilespmem:s20+$0x6640] =	vst.add.f32.msk $0xffff, v5  }
0xde: {  	[tilespmem:s20+$0x650] =	vst.add.f32.msk $0xffff, v6  }
0xdf: {  	[tilespmem:s20+$0x2650] =	vst.add.f32.msk $0xffff, v6  }
0xe0: {  	[tilespmem:s20+$0x4650] =	vst.add.f32.msk $0xffff, v6  }
0xe1: {  	[tilespmem:s20+$0x6650] =	vst.add.f32.msk $0xffff, v6  }
0xe2: {  	[tilespmem:s20+$0x660] =	vst.add.f32.msk $0xffff, v7  }
0xe3: {  	[tilespmem:s20+$0x2660] =	vst.add.f32.msk $0xffff, v7  }
.Ltmp1:
0xe4: {  	[tilespmem:s20+$0x4660] =	vst.add.f32.msk $0xffff, v7;
	(pc) =	sbr.rel @p0 .LBB2_4-.Ltmp1, $4  }
0xe5: {  	[tilespmem:s20+$0x6660] =	vst.add.f32.msk $0xffff, v7  }
0xe6: {  	[tilespmem:s20+$0x670] =	vst.add.f32.msk $0xffff, v0  }
0xe7: {  	[tilespmem:s20+$0x2670] =	vst.add.f32.msk $0xffff, v0  }
0xe8: {  	[tilespmem:s20+$0x4670] =	vst.add.f32.msk $0xffff, v0;
	s20 =	sshra.s32 s21, $0x2;
	s21 =	sadd.s32 $0x200, s21  }
0xe9: {  	v0 =	vld [tilespmem:s20+$0x8670]  }
0xea: {  	v1 =	vld [tilespmem:s20+$0x8600]  }
0xeb: {  	v2 =	vld [tilespmem:s20+$0x8610]  }
0xec: {  	v3 =	vld [tilespmem:s20+$0x8620]  }
0xed: {  	v4 =	vld [tilespmem:s20+$0x8630]  }
0xee: {  	v5 =	vld [tilespmem:s20+$0x8640]  }
0xef: {  	v6 =	vld [tilespmem:s20+$0x8650]  }
0xf0: {  	v7 =	vld [tilespmem:s20+$0x8660]  }
0xf1: {  	[tilespmem:s20+$0x6670] =	vst.add.f32.msk $0xffff, v0  }
0xf2: {  	[tilespmem:s20+$0x600] =	vst.add.f32.msk $0xffff, v1  }
0xf3: {  	[tilespmem:s20+$0x2600] =	vst.add.f32.msk $0xffff, v1  }
0xf4: {  	[tilespmem:s20+$0x4600] =	vst.add.f32.msk $0xffff, v1  }
0xf5: {  	[tilespmem:s20+$0x6600] =	vst.add.f32.msk $0xffff, v1  }
0xf6: {  	[tilespmem:s20+$0x610] =	vst.add.f32.msk $0xffff, v2  }
0xf7: {  	[tilespmem:s20+$0x2610] =	vst.add.f32.msk $0xffff, v2  }
0xf8: {  	[tilespmem:s20+$0x4610] =	vst.add.f32.msk $0xffff, v2  }
0xf9: {  	[tilespmem:s20+$0x6610] =	vst.add.f32.msk $0xffff, v2  }
0xfa: {  	[tilespmem:s20+$0x620] =	vst.add.f32.msk $0xffff, v3  }
0xfb: {  	[tilespmem:s20+$0x2620] =	vst.add.f32.msk $0xffff, v3  }
0xfc: {  	[tilespmem:s20+$0x4620] =	vst.add.f32.msk $0xffff, v3  }
0xfd: {  	[tilespmem:s20+$0x6620] =	vst.add.f32.msk $0xffff, v3  }
0xfe: {  	[tilespmem:s20+$0x630] =	vst.add.f32.msk $0xffff, v4  }
0xff: {  	[tilespmem:s20+$0x2630] =	vst.add.f32.msk $0xffff, v4  }
0x100: {  	[tilespmem:s20+$0x4630] =	vst.add.f32.msk $0xffff, v4  }
0x101: {  	[tilespmem:s20+$0x6630] =	vst.add.f32.msk $0xffff, v4  }
0x102: {  	[tilespmem:s20+$0x640] =	vst.add.f32.msk $0xffff, v5  }
0x103: {  	[tilespmem:s20+$0x2640] =	vst.add.f32.msk $0xffff, v5  }
0x104: {  	[tilespmem:s20+$0x4640] =	vst.add.f32.msk $0xffff, v5  }
0x105: {  	[tilespmem:s20+$0x6640] =	vst.add.f32.msk $0xffff, v5  }
0x106: {  	[tilespmem:s20+$0x650] =	vst.add.f32.msk $0xffff, v6  }
0x107: {  	[tilespmem:s20+$0x2650] =	vst.add.f32.msk $0xffff, v6  }
0x108: {  	[tilespmem:s20+$0x4650] =	vst.add.f32.msk $0xffff, v6  }
0x109: {  	[tilespmem:s20+$0x6650] =	vst.add.f32.msk $0xffff, v6  }
0x10a: {  	[tilespmem:s20+$0x660] =	vst.add.f32.msk $0xffff, v7  }
0x10b: {  	[tilespmem:s20+$0x2660] =	vst.add.f32.msk $0xffff, v7  }
0x10c: {  	[tilespmem:s20+$0x4660] =	vst.add.f32.msk $0xffff, v7  }
0x10d: {  	[tilespmem:s20+$0x6660] =	vst.add.f32.msk $0xffff, v7  }
0x10e: {  	[tilespmem:s20+$0x670] =	vst.add.f32.msk $0xffff, v0  }
0x10f: {  	[tilespmem:s20+$0x2670] =	vst.add.f32.msk $0xffff, v0  }
0x110: {  	s21 =	rddreg [dreg:$0xe];
	s0 =	simm.s32 $0x600;
	[tilespmem:s20+$0x4670] =	vst.add.f32.msk $0xffff, v0;
	s20 =	simm.s32 $0x0  }
0x111: {  	[hbm4b:s21+s20] =	stream.linear.scatter [tilespmem:s0], [sflag:$0xA], $0xC00, $0x38;
	[tilespmem:$0xA200] =	vst v63  }
0x112: {  	s0 =	rddreg [dreg:$0xf]  }
0x113: {  	[hbm4b:s0+s20] =	stream.linear.scatter [tilespmem:s7], [sflag:$0xA], $0xC00, $0x38;
	[tilespmem:$0xA200] =	vst v63  }
0x114: {  	s0 =	rddreg [dreg:$0x10]  }
0x115: {  	[hbm4b:s0+s20] =	stream.linear.scatter [tilespmem:s12], [sflag:$0xA], $0xC00, $0x38;
	[tilespmem:$0xA200] =	vst v63  }
0x116: {  	s0 =	rddreg [dreg:$0x11]  }
0x117: {  	[hbm4b:s0+s20] =	stream.linear.scatter [tilespmem:s4], [sflag:$0xA], $0xC00, $0x38;
	[tilespmem:$0xA200] =	vst v63  }
0x118: {  	_ =	swait.ge [sflag:s17], $0x1000  }
0x119: {  	[sflag:s17] =	ssyncset.done $0x0  }
0x11a: {  	[sflag:s17] =	ssyncadd.s32 $0xFFFFF000  }
0x11b: {  	_ =	swait.ge [sflag:s17], $0x1000  }
0x11c: {  	[sflag:s17] =	ssyncset.done $0x0  }
0x11d: {  	[sflag:s17] =	ssyncadd.s32 $0xFFFFF000  }
0x11e: {  	_ =	swait.ge [sflag:s17], $0x1000  }
0x11f: {  	[sflag:s17] =	ssyncset.done $0x0  }
0x120: {  	[sflag:s17] =	ssyncadd.s32 $0xFFFFF000  }
0x121: {  	_ =	swait.ge [sflag:s17], $0x1000  }
0x122: {  	[sflag:s17] =	ssyncset.done $0x0  }
0x123: {  	s21 =	simm.s32 $0x200;
	s20 =	simm.s32 $0x0;
	[sflag:s17] =	ssyncadd.s32 $0xFFFFF000  }
.LBB2_6:
0x124: {  	p0 =	sne.s32 s21, $0x3E00;
	v0 =	vld [tilespmem:s20+$0x9270]  }
0x125: {  	v1 =	vld [tilespmem:s20+$0x9200]  }
0x126: {  	v2 =	vld [tilespmem:s20+$0x9210]  }
0x127: {  	v3 =	vld [tilespmem:s20+$0x9220]  }
0x128: {  	v4 =	vld [tilespmem:s20+$0x9230]  }
0x129: {  	[tilespmem:s20+$0x7270] =	vst.add.f32.msk $0xffff, v0  }
0x12a: {  	v5 =	vld [tilespmem:s20+$0x9240]  }
0x12b: {  	v6 =	vld [tilespmem:s20+$0x9250]  }
0x12c: {  	v7 =	vld [tilespmem:s20+$0x9260]  }
0x12d: {  	[tilespmem:s20+$0x1200] =	vst.add.f32.msk $0xffff, v1  }
0x12e: {  	[tilespmem:s20+$0x3200] =	vst.add.f32.msk $0xffff, v1  }
0x12f: {  	[tilespmem:s20+$0x5200] =	vst.add.f32.msk $0xffff, v1  }
0x130: {  	[tilespmem:s20+$0x7200] =	vst.add.f32.msk $0xffff, v1  }
0x131: {  	[tilespmem:s20+$0x1210] =	vst.add.f32.msk $0xffff, v2  }
0x132: {  	[tilespmem:s20+$0x3210] =	vst.add.f32.msk $0xffff, v2  }
0x133: {  	[tilespmem:s20+$0x5210] =	vst.add.f32.msk $0xffff, v2  }
0x134: {  	[tilespmem:s20+$0x7210] =	vst.add.f32.msk $0xffff, v2  }
0x135: {  	[tilespmem:s20+$0x1220] =	vst.add.f32.msk $0xffff, v3  }
0x136: {  	[tilespmem:s20+$0x3220] =	vst.add.f32.msk $0xffff, v3  }
0x137: {  	[tilespmem:s20+$0x5220] =	vst.add.f32.msk $0xffff, v3  }
0x138: {  	[tilespmem:s20+$0x7220] =	vst.add.f32.msk $0xffff, v3  }
0x139: {  	[tilespmem:s20+$0x1230] =	vst.add.f32.msk $0xffff, v4  }
0x13a: {  	[tilespmem:s20+$0x3230] =	vst.add.f32.msk $0xffff, v4  }
0x13b: {  	[tilespmem:s20+$0x5230] =	vst.add.f32.msk $0xffff, v4  }
0x13c: {  	[tilespmem:s20+$0x7230] =	vst.add.f32.msk $0xffff, v4  }
0x13d: {  	[tilespmem:s20+$0x1240] =	vst.add.f32.msk $0xffff, v5  }
0x13e: {  	[tilespmem:s20+$0x3240] =	vst.add.f32.msk $0xffff, v5  }
0x13f: {  	[tilespmem:s20+$0x5240] =	vst.add.f32.msk $0xffff, v5  }
0x140: {  	[tilespmem:s20+$0x7240] =	vst.add.f32.msk $0xffff, v5  }
0x141: {  	[tilespmem:s20+$0x1250] =	vst.add.f32.msk $0xffff, v6  }
0x142: {  	[tilespmem:s20+$0x3250] =	vst.add.f32.msk $0xffff, v6  }
0x143: {  	[tilespmem:s20+$0x5250] =	vst.add.f32.msk $0xffff, v6  }
0x144: {  	[tilespmem:s20+$0x7250] =	vst.add.f32.msk $0xffff, v6  }
0x145: {  	[tilespmem:s20+$0x1260] =	vst.add.f32.msk $0xffff, v7  }
0x146: {  	[tilespmem:s20+$0x3260] =	vst.add.f32.msk $0xffff, v7  }
.Ltmp2:
0x147: {  	[tilespmem:s20+$0x5260] =	vst.add.f32.msk $0xffff, v7;
	(pc) =	sbr.rel @p0 .LBB2_6-.Ltmp2, $4  }
0x148: {  	[tilespmem:s20+$0x7260] =	vst.add.f32.msk $0xffff, v7  }
0x149: {  	[tilespmem:s20+$0x1270] =	vst.add.f32.msk $0xffff, v0  }
0x14a: {  	[tilespmem:s20+$0x3270] =	vst.add.f32.msk $0xffff, v0  }
0x14b: {  	[tilespmem:s20+$0x5270] =	vst.add.f32.msk $0xffff, v0;
	s20 =	sshra.s32 s21, $0x2;
	s21 =	sadd.s32 $0x200, s21  }
0x14c: {  	v0 =	vld [tilespmem:s20+$0x9270]  }
0x14d: {  	v1 =	vld [tilespmem:s20+$0x9200]  }
0x14e: {  	v2 =	vld [tilespmem:s20+$0x9210]  }
0x14f: {  	v3 =	vld [tilespmem:s20+$0x9220]  }
0x150: {  	v4 =	vld [tilespmem:s20+$0x9230]  }
0x151: {  	v5 =	vld [tilespmem:s20+$0x9240]  }
0x152: {  	v6 =	vld [tilespmem:s20+$0x9250]  }
0x153: {  	v7 =	vld [tilespmem:s20+$0x9260]  }
0x154: {  	[tilespmem:s20+$0x7270] =	vst.add.f32.msk $0xffff, v0  }
0x155: {  	[tilespmem:s20+$0x1200] =	vst.add.f32.msk $0xffff, v1  }
0x156: {  	[tilespmem:s20+$0x3200] =	vst.add.f32.msk $0xffff, v1  }
0x157: {  	[tilespmem:s20+$0x5200] =	vst.add.f32.msk $0xffff, v1  }
0x158: {  	[tilespmem:s20+$0x7200] =	vst.add.f32.msk $0xffff, v1  }
0x159: {  	[tilespmem:s20+$0x1210] =	vst.add.f32.msk $0xffff, v2  }
0x15a: {  	[tilespmem:s20+$0x3210] =	vst.add.f32.msk $0xffff, v2  }
0x15b: {  	[tilespmem:s20+$0x5210] =	vst.add.f32.msk $0xffff, v2  }
0x15c: {  	[tilespmem:s20+$0x7210] =	vst.add.f32.msk $0xffff, v2  }
0x15d: {  	[tilespmem:s20+$0x1220] =	vst.add.f32.msk $0xffff, v3  }
0x15e: {  	[tilespmem:s20+$0x3220] =	vst.add.f32.msk $0xffff, v3  }
0x15f: {  	[tilespmem:s20+$0x5220] =	vst.add.f32.msk $0xffff, v3  }
0x160: {  	[tilespmem:s20+$0x7220] =	vst.add.f32.msk $0xffff, v3  }
0x161: {  	[tilespmem:s20+$0x1230] =	vst.add.f32.msk $0xffff, v4  }
0x162: {  	[tilespmem:s20+$0x3230] =	vst.add.f32.msk $0xffff, v4  }
0x163: {  	[tilespmem:s20+$0x5230] =	vst.add.f32.msk $0xffff, v4  }
0x164: {  	[tilespmem:s20+$0x7230] =	vst.add.f32.msk $0xffff, v4  }
0x165: {  	[tilespmem:s20+$0x1240] =	vst.add.f32.msk $0xffff, v5  }
0x166: {  	[tilespmem:s20+$0x3240] =	vst.add.f32.msk $0xffff, v5  }
0x167: {  	[tilespmem:s20+$0x5240] =	vst.add.f32.msk $0xffff, v5  }
0x168: {  	[tilespmem:s20+$0x7240] =	vst.add.f32.msk $0xffff, v5  }
0x169: {  	[tilespmem:s20+$0x1250] =	vst.add.f32.msk $0xffff, v6  }
0x16a: {  	[tilespmem:s20+$0x3250] =	vst.add.f32.msk $0xffff, v6  }
0x16b: {  	[tilespmem:s20+$0x5250] =	vst.add.f32.msk $0xffff, v6  }
0x16c: {  	[tilespmem:s20+$0x7250] =	vst.add.f32.msk $0xffff, v6  }
0x16d: {  	[tilespmem:s20+$0x1260] =	vst.add.f32.msk $0xffff, v7  }
0x16e: {  	[tilespmem:s20+$0x3260] =	vst.add.f32.msk $0xffff, v7  }
0x16f: {  	[tilespmem:s20+$0x5260] =	vst.add.f32.msk $0xffff, v7  }
0x170: {  	[tilespmem:s20+$0x7260] =	vst.add.f32.msk $0xffff, v7  }
0x171: {  	[tilespmem:s20+$0x1270] =	vst.add.f32.msk $0xffff, v0  }
0x172: {  	[tilespmem:s20+$0x3270] =	vst.add.f32.msk $0xffff, v0  }
0x173: {  	s21 =	rddreg [dreg:$0x12];
	[tilespmem:s20+$0x5270] =	vst.add.f32.msk $0xffff, v0  }
0x174: {  	[hbm4b:s21+s3] =	stream.linear.scatter [tilespmem:s28], [sflag:$0xA], $0x1000, $0x38;
	[tilespmem:$0xA200] =	vst v63  }
0x175: {  	s0 =	rddreg [dreg:$0x13]  }
0x176: {  	[hbm4b:s0+s3] =	stream.linear.scatter [tilespmem:s8], [sflag:$0xA], $0x1000, $0x38;
	[tilespmem:$0xA200] =	vst v63  }
0x177: {  	s21 =	rddreg [dreg:$0x14]  }
0x178: {  	[hbm4b:s21+s3] =	stream.linear.scatter [tilespmem:s13], [sflag:$0xA], $0x1000, $0x38;
	[tilespmem:$0xA200] =	vst v63  }
0x179: {  	s0 =	rddreg [dreg:$0x15]  }
0x17a: {  	[hbm4b:s0+s3] =	stream.linear.scatter [tilespmem:s15], [sflag:$0xA], $0x1000, $0x38;
	[tilespmem:$0xA200] =	vst v63  }
0x17b: {  	_ =	swait.ge [sflag:s18], $0x400  }
0x17c: {  	[sflag:s18] =	ssyncset.done $0x0  }
0x17d: {  	[sflag:s18] =	ssyncadd.s32 $0xFFFFFC00  }
0x17e: {  	_ =	swait.ge [sflag:s18], $0x400  }
0x17f: {  	[sflag:s18] =	ssyncset.done $0x0  }
0x180: {  	[sflag:s18] =	ssyncadd.s32 $0xFFFFFC00  }
0x181: {  	_ =	swait.ge [sflag:s18], $0x400  }
0x182: {  	[sflag:s18] =	ssyncset.done $0x0  }
0x183: {  	[sflag:s18] =	ssyncadd.s32 $0xFFFFFC00  }
0x184: {  	_ =	swait.ge [sflag:s18], $0x400  }
0x185: {  	[sflag:s18] =	ssyncset.done $0x0  }
0x186: {  	[sflag:s18] =	ssyncadd.s32 $0xFFFFFC00  }
0x187: {  	_ =	swait.ge [sflag:s18], $0xC00  }
0x188: {  	[sflag:s18] =	ssyncset.done $0x0  }
0x189: {  	[sflag:s18] =	ssyncadd.s32 $0xFFFFF400  }
0x18a: {  	_ =	swait.ge [sflag:s18], $0xC00  }
0x18b: {  	[sflag:s18] =	ssyncset.done $0x0  }
0x18c: {  	[sflag:s18] =	ssyncadd.s32 $0xFFFFF400  }
0x18d: {  	_ =	swait.ge [sflag:s18], $0xC00  }
0x18e: {  	[sflag:s18] =	ssyncset.done $0x0  }
0x18f: {  	[sflag:s18] =	ssyncadd.s32 $0xFFFFF400  }
0x190: {  	_ =	swait.ge [sflag:s18], $0xC00  }
0x191: {  	[sflag:s18] =	ssyncset.done $0x0  }
0x192: {  	[sflag:s18] =	ssyncadd.s32 $0xFFFFF400  }
0x193: {  	_ =	swait.ge [sflag:s18], $0x1000  }
0x194: {  	[sflag:s18] =	ssyncset.done $0x0  }
0x195: {  	[sflag:s18] =	ssyncadd.s32 $0xFFFFF000  }
0x196: {  	_ =	swait.ge [sflag:s18], $0x1000  }
0x197: {  	[sflag:s18] =	ssyncset.done $0x0  }
0x198: {  	[sflag:s18] =	ssyncadd.s32 $0xFFFFF000  }
0x199: {  	_ =	swait.ge [sflag:s18], $0x1000  }
0x19a: {  	[sflag:s18] =	ssyncset.done $0x0  }
0x19b: {  	[sflag:s18] =	ssyncadd.s32 $0xFFFFF000  }
0x19c: {  	_ =	swait.ge [sflag:s18], $0x1000  }
0x19d: {  	s19 =	sadd.s32 $0x1, s19;
	s21 =	rddreg [dreg:$0x16]  }
0x19e: {  	p0 =	sne.s32 s19, s21  }
.Ltmp3:
0x19f: {  	_ = 	snop;
	(pc) =	sbr.rel @p0 .LBB2_1-.Ltmp3, $3  }
0x1a0: {  	_ =	sdelay $0x1  }
0x1a1: {  	[sflag:s18] =	ssyncset.done $0x0  }
0x1a2: {  	[sflag:s18] =	ssyncadd.s32 $0xFFFFF000  }
0x1a3: {  	_ =	sfence.sel $0x180000  }
0x1a4: {  	[bflag:$0x0] =	sbarrier.arrive $0xFFFF  }
0x1a5: {  	_ =	strace $0x90000047  }
0x1a6: {  	s0 =	stileid.u32;
	[bflag:$0x2] =	sbarrier.arrive $0xFFFF  }
0x1a7: {  	p0 =	sne.s32 s0, $0x0;
	s0 =	rddreg [dreg:$0x4]  }
0x1a8: {  	s0 =	sadd.s32 @!p0 $0x100000, s0  }
0x1a9: {  	[sflag:s0] =	ssyncadd.tile.s32 @!p0 $0x1;
	_ =	shalt  }
.Lfunc_end2:
_tile_overlayer_lowered:
.L_overlay_start_2:
0x1aa: {  	(tag) =	ssettag $0x2  }
0x1ab: {  	s0 =	rddreg [dreg:$0x0];
	s2 =	stileid.u32  }
0x1ac: {  	s1 =	rddreg [dreg:$0x1];
	p0 =	sne.s32 s2, $0x0  }
0x1ad: {  	s3 =	rddreg [dreg:$0x2];
	[bflag:$0x3] =	sbarrier.arrive $0xFFFF;
	s2 =	simm.s32 @!p0 $0x1C0B  }
0x1ae: {  	[timem:s3], [sflag:s2] =	dma.local @!p0 [hbm:s0], s1  }
0x1af: {  	s0 =	simm.s32 @!p0 $0xB  }
0x1b0: {  	_ =	swait.ge @!p0 [sflag:s0], s1  }
0x1b1: {  	s1 =	ssub.s32 @!p0 $0x0, s1;
	[sflag:s0] =	ssyncset.done @!p0 $0x0  }
0x1b2: {  	[sflag:s0] =	ssyncadd.s32 @!p0 s1  }
0x1b3: {  	[bflag:$0x3] =	sbarrier.arrive $0xFFFF  }
0x1b4: {  	_ =	shalt  }

</sc_bundles>
